<compile_context>
chip_gen: v7x
topology: tpu7x:2x2x1
jax: 0.10.2.dev20260603
libtpu: 0.0.44.dev20260713+nightly
codegen_flags: <defaults>
</compile_context>

<pallas_src>
import functools

import jax
import jax.numpy as jnp
from jax import lax
from jax.experimental import pallas as pl
from jax.experimental.pallas import tpu as pltpu
from jax.experimental.pallas import tpu_sc as plsc

NC = 2
NS = 16
NW = NC * NS
K = 96
NCH = 54
E_PAD = NW * NCH * K
ZROWS = 64


def _matmul_body(x_ref, w_ref, xa_ref, xb_ref):
    p = jnp.dot(x_ref[...], w_ref[...], preferred_element_type=jnp.float32)
    xa_ref[...] = p[:, :128]
    xb_ref[...] = p[:, 128:]


def _matmul0_body(x_ref, w0_ref, out_ref):
    out_ref[...] = jnp.dot(x_ref[...], w0_ref[...],
                           preferred_element_type=jnp.float32)


def _combine_body(xw0_ref, aggA_ref, aggB_ref, deg_ref, out_ref):
    a = aggA_ref[0] + aggA_ref[1]
    b = aggB_ref[0] + aggB_ref[1]
    d = jnp.sum(deg_ref[...], axis=0)[:, None]
    r = 1.0 / jnp.maximum(d, 1.0)
    out_ref[...] = (xw0_ref[...] + jnp.concatenate([a, b], axis=1)) * r


def _sc_body(xa, xb, srcb, dstb, zhbm, aggA, aggB, degout,
             src_v, dst_v, rows0, rows1, deg_v, acc, sem_g0, sem_g1):
    rows = (rows0, rows1)
    sem_g = (sem_g0, sem_g1)
    c = lax.axis_index("c")
    s = lax.axis_index("s")
    w = c * NS + s
    n_acc = acc.shape[0]
    rows_per_tile = n_acc // NS
    base = s * rows_per_tile

    with jax.named_scope("sc_init"):
        pltpu.sync_copy(srcb.at[w], src_v)
        pltpu.sync_copy(dstb.at[w], dst_v)

        def _init_deg(i, _):
            deg_v[pl.ds(i * 16, 16)] = jnp.zeros((16,), jnp.float32)
            return _
        lax.fori_loop(0, n_acc // 16, _init_deg, 0)

    ones16 = jnp.ones((16,), jnp.float32)

    def _make_step(xw, with_deg):
        def _step(i, carry):
            for b in range(2):
                b1 = 1 - b
                j = 2 * i + b
                pltpu.make_async_copy(xw.at[src_v.at[j]], rows[b],
                                      sem_g[b]).wait()

                @pl.when(j + 1 < NCH)
                def _():
                    pltpu.async_copy(xw.at[src_v.at[j + 1]], rows[b1],
                                     sem_g[b1])

                if with_deg:
                    for v in range(K // 16):
                        idx = dst_v[j, pl.ds(v * 16, 16)]
                        plsc.addupdate_scatter(deg_v, [idx], ones16)
                pltpu.sync_copy(rows[b], acc.at[dst_v.at[j]], add=True)
            return carry
        return _step

    with jax.named_scope("sc_zero0"):
        pltpu.async_copy(xa.at[src_v.at[0]], rows[0], sem_g[0])
        pltpu.sync_copy(zhbm.at[pl.ds(base, rows_per_tile)],
                        acc.at[pl.ds(base, rows_per_tile)])
        plsc.subcore_barrier()
    with jax.named_scope("sc_chunks0"):
        lax.fori_loop(0, NCH // 2, _make_step(xa, True), 0)
        plsc.subcore_barrier()
    with jax.named_scope("sc_turn"):
        pltpu.async_copy(xb.at[src_v.at[0]], rows[0], sem_g[0])
        pltpu.sync_copy(acc.at[pl.ds(base, rows_per_tile)],
                        aggA.at[c].at[pl.ds(base, rows_per_tile)])
        pltpu.sync_copy(zhbm.at[pl.ds(base, rows_per_tile)],
                        acc.at[pl.ds(base, rows_per_tile)])
        plsc.subcore_barrier()
    with jax.named_scope("sc_chunks1"):
        lax.fori_loop(0, NCH // 2, _make_step(xb, False), 0)
        plsc.subcore_barrier()
    with jax.named_scope("sc_out1"):
        pltpu.sync_copy(acc.at[pl.ds(base, rows_per_tile)],
                        aggB.at[c].at[pl.ds(base, rows_per_tile)])

    pltpu.sync_copy(deg_v, degout.at[w])


def kernel(x, edge_index, num_nodes, W, W0):
    n = x.shape[0]
    d_in = x.shape[1]
    d_out = W.shape[1]
    e = edge_index.shape[1]
    rows_per_tile = -(-(n + 1) // (NS * ZROWS)) * ZROWS
    n_acc = rows_per_tile * NS

    src = edge_index[0]
    dst = edge_index[1]
    pad = E_PAD - e
    pad_src = (jnp.arange(pad, dtype=jnp.int32) * 37) % n
    n_dummy = n_acc - n
    pad_dst = n + (jnp.arange(pad, dtype=jnp.int32) % n_dummy)
    src_b = jnp.concatenate([src, pad_src]).reshape(NW, NCH, K)
    dst_b = jnp.concatenate([dst, pad_dst]).reshape(NW, NCH, K)

    bm = 1000
    xa, xb = pl.pallas_call(
        _matmul_body,
        grid=(n // bm,),
        in_specs=[
            pl.BlockSpec((bm, d_in), lambda i: (i, 0)),
            pl.BlockSpec((d_in, d_out), lambda i: (0, 0)),
        ],
        out_specs=[
            pl.BlockSpec((bm, 128), lambda i: (i, 0)),
            pl.BlockSpec((bm, 128), lambda i: (i, 0)),
        ],
        out_shape=[
            jax.ShapeDtypeStruct((n, 128), jnp.float32),
            jax.ShapeDtypeStruct((n, 128), jnp.float32),
        ],
    )(x, W)

    mesh = plsc.VectorSubcoreMesh(core_axis_name="c", subcore_axis_name="s")
    sc_call = pl.kernel(
        _sc_body,
        out_type=[
            jax.ShapeDtypeStruct((NC, n_acc, 128), jnp.float32),
            jax.ShapeDtypeStruct((NC, n_acc, 128), jnp.float32),
            jax.ShapeDtypeStruct((NW, n_acc), jnp.float32),
        ],
        mesh=mesh,
        scratch_types=[
            pltpu.VMEM((NCH, K), jnp.int32),
            pltpu.VMEM((NCH, K), jnp.int32),
            pltpu.VMEM((K, 128), jnp.float32),
            pltpu.VMEM((K, 128), jnp.float32),
            pltpu.VMEM((n_acc,), jnp.float32),
            pltpu.VMEM_SHARED((n_acc, 128), jnp.float32),
            pltpu.SemaphoreType.DMA,
            pltpu.SemaphoreType.DMA,
        ],
        compiler_params=pltpu.CompilerParams(needs_layout_passes=False),
    )
    zeros_hbm = jnp.zeros((n_acc, 128), jnp.float32)
    aggA, aggB, deg = sc_call(xa, xb, src_b, dst_b, zeros_hbm)

    xw0 = pl.pallas_call(
        _matmul0_body,
        grid=(n // bm,),
        in_specs=[
            pl.BlockSpec((bm, d_in), lambda i: (i, 0)),
            pl.BlockSpec((d_in, d_out), lambda i: (0, 0)),
        ],
        out_specs=pl.BlockSpec((bm, d_out), lambda i: (i, 0)),
        out_shape=jax.ShapeDtypeStruct((n, d_out), jnp.float32),
    )(x, W0)

    bc = 1024
    gc = -(-n // bc)
    out = pl.pallas_call(
        _combine_body,
        grid=(gc,),
        in_specs=[
            pl.BlockSpec((bc, d_out), lambda i: (i, 0)),
            pl.BlockSpec((NC, bc, 128), lambda i: (0, i, 0)),
            pl.BlockSpec((NC, bc, 128), lambda i: (0, i, 0)),
            pl.BlockSpec((NW, bc), lambda i: (0, i)),
        ],
        out_specs=pl.BlockSpec((bc, d_out), lambda i: (i, 0)),
        out_shape=jax.ShapeDtypeStruct((n, d_out), jnp.float32),
    )(xw0, aggA, aggB, deg)
    return out

# --- scband reference (transcript-rebuilt; emitter-appended) ---
"""Pipeline reference for scband-gcnlayer-35854386987427 (READ-ONLY COPY).

The authoritative reference and input builder live on the scoring server;
editing this copy changes nothing except your own understanding.
"""

import jax, jax.numpy as jnp
import numpy as np

N_NODES = 10000
N_EDGES = 160000
IN_DIM = 256
OUT_DIM = 256


def setup_inputs(seed: int = 0) -> dict:
    key = jax.random.key(seed)
    k1, k2, k3, k4 = jax.random.split(key, 4)
    x = jax.random.normal(k1, (N_NODES, IN_DIM), dtype=jnp.float32)
    edge_index = jax.random.randint(k2, (2, N_EDGES), 0, N_NODES, dtype=jnp.int32)
    W = jax.random.normal(k3, (IN_DIM, OUT_DIM), dtype=jnp.float32) * 0.02
    W0 = jax.random.normal(k4, (IN_DIM, OUT_DIM), dtype=jnp.float32) * 0.02
    return {"x": x, "edge_index": edge_index, "num_nodes": N_NODES, "W": W, "W0": W0}


def reference(x, edge_index, num_nodes, W, W0):
    num_segments = x.shape[0]
    src = edge_index[0]
    dst = edge_index[1]
    # root/self transform
    out = x @ W0
    # neighbor transform + gather by src + scatter-add to dst
    xW = x @ W
    agg = jax.ops.segment_sum(jnp.take(xW, src, axis=0), dst, num_segments=num_segments)
    out = out + agg
    # degree normalization (count of incoming edges per dst, clamped to >= 1)
    deg = jax.ops.segment_sum(jnp.ones((dst.shape[0],), dtype=jnp.float32), dst, num_segments=num_segments)
    deg = jnp.clip(deg, 1.0, None)
    out = out / deg[:, None]
    out = out + jnp.asarray(num_nodes - num_nodes, dtype=out.dtype)
    return out

if __name__ == "__main__":
    import jax
    _d = setup_inputs()
    print(jax.jit(kernel)(*tuple(_d.values())))

</pallas_src>

<mosaic_0001>
#map = affine_map<(d0, d1) -> (0, 0)>
#map1 = affine_map<(d0, d1) -> (0, 0, 0)>
module attributes {stable_mosaic.version = 14 : i64} {
  func.func @_sc_body(%arg0: i32, %arg1: i32, %arg2: memref<10000x128xf32, #tpu.memory_space<hbm>>, %arg3: memref<10000x128xf32, #tpu.memory_space<hbm>>, %arg4: memref<32x54x96xi32, #tpu.memory_space<hbm>>, %arg5: memref<32x54x96xi32, #tpu.memory_space<hbm>>, %arg6: memref<10240x128xf32, #tpu.memory_space<hbm>>, %arg7: memref<2x10240x128xf32, #tpu.memory_space<hbm>>, %arg8: memref<2x10240x128xf32, #tpu.memory_space<hbm>>, %arg9: memref<32x10240xf32, #tpu.memory_space<hbm>>, %arg10: memref<54x96xi32, #tpu.memory_space<vmem>>, %arg11: memref<54x96xi32, #tpu.memory_space<vmem>>, %arg12: memref<96x128xf32, #tpu.memory_space<vmem>>, %arg13: memref<96x128xf32, #tpu.memory_space<vmem>>, %arg14: memref<10240xf32, #tpu.memory_space<vmem>>, %arg15: memref<10240x128xf32, #tpu.memory_space<vmem_shared>>, %arg16: memref<!tpu.dma_semaphore, #tpu.memory_space<semaphore_mem>>, %arg17: memref<!tpu.dma_semaphore, #tpu.memory_space<semaphore_mem>>) attributes {dimension_semantics = [#tpu.dimension_semantics<core_parallel>, #tpu.dimension_semantics<subcore_parallel>], iteration_bounds = array<i64: 2, 16>, scalar_prefetch = 0 : i64, scratch_operands = 8 : i64, tpu.core_type = #tpu.core_type<sc_vector_subcore>, window_params = [{transform_indices = #map}, {transform_indices = #map}, {transform_indices = #map1}, {transform_indices = #map1}, {transform_indices = #map}, {transform_indices = #map1}, {transform_indices = #map1}, {transform_indices = #map}]} {
    %mul3A = arith.constant 16 : i32
    %mul3A_0 = arith.muli %arg0, %mul3A : i32
    %add3A = arith.addi %mul3A_0, %arg1 : i32
    %mul3A_1 = arith.constant 640 : i32
    %mul3A_2 = arith.muli %arg1, %mul3A_1 : i32
    "tpu.trace_start"() <{level = 10 : i32, message = "sc_init"}> : () -> ()
    "tpu.region"() ({
      %run_scoped3A = tpu.sem_alloc : memref<!tpu.dma_semaphore, #tpu.memory_space<semaphore_mem>>
      %dma_start3A_37 = arith.constant 0 : i32
      %dma_start3A_38 = arith.constant 0 : i32
      %dma_start3A_39 = tpu.memref_slice %arg4[%add3A, %dma_start3A_37, %dma_start3A_38] : memref<32x54x96xi32, #tpu.memory_space<hbm>> -> memref<1x54x96xi32, #tpu.memory_space<hbm>>
      %dma_start3A_40 = tpu.memref_squeeze %dma_start3A_39 : memref<1x54x96xi32, #tpu.memory_space<hbm>> -> memref<54x96xi32, #tpu.memory_space<hbm>>
      %dma_start3A_41 = arith.constant 0 : i32
      %dma_start3A_42 = arith.constant 0 : i32
      %dma_start3A_43 = tpu.memref_slice %arg4[%add3A, %dma_start3A_41, %dma_start3A_42] : memref<32x54x96xi32, #tpu.memory_space<hbm>> -> memref<1x54x96xi32, #tpu.memory_space<hbm>>
      %dma_start3A_44 = tpu.memref_squeeze %dma_start3A_43 : memref<1x54x96xi32, #tpu.memory_space<hbm>> -> memref<54x96xi32, #tpu.memory_space<hbm>>
      tpu.enqueue_dma source(%dma_start3A_44 : memref<54x96xi32, #tpu.memory_space<hbm>>) target(%arg10 : memref<54x96xi32, #tpu.memory_space<vmem>>) target_semaphore(%run_scoped3A : memref<!tpu.dma_semaphore, #tpu.memory_space<semaphore_mem>>)
      %dma_wait3A = arith.constant 0 : i32
      %dma_wait3A_45 = arith.constant 0 : i32
      %dma_wait3A_46 = tpu.memref_slice %arg4[%add3A, %dma_wait3A, %dma_wait3A_45] : memref<32x54x96xi32, #tpu.memory_space<hbm>> -> memref<1x54x96xi32, #tpu.memory_space<hbm>>
      %dma_wait3A_47 = tpu.memref_squeeze %dma_wait3A_46 : memref<1x54x96xi32, #tpu.memory_space<hbm>> -> memref<54x96xi32, #tpu.memory_space<hbm>>
      %dma_wait3A_48 = arith.constant 0 : i32
      %dma_wait3A_49 = arith.constant 0 : i32
      %dma_wait3A_50 = tpu.memref_slice %arg4[%add3A, %dma_wait3A_48, %dma_wait3A_49] : memref<32x54x96xi32, #tpu.memory_space<hbm>> -> memref<1x54x96xi32, #tpu.memory_space<hbm>>
      %dma_wait3A_51 = tpu.memref_squeeze %dma_wait3A_50 : memref<1x54x96xi32, #tpu.memory_space<hbm>> -> memref<54x96xi32, #tpu.memory_space<hbm>>
      tpu.wait_dma2 semaphore(%run_scoped3A : memref<!tpu.dma_semaphore, #tpu.memory_space<semaphore_mem>>) src(%dma_wait3A_51 : memref<54x96xi32, #tpu.memory_space<hbm>>) dst(%arg10 : memref<54x96xi32, #tpu.memory_space<vmem>>)
      tpu.yield
    }) : () -> ()
    "tpu.region"() ({
      %run_scoped3A = tpu.sem_alloc : memref<!tpu.dma_semaphore, #tpu.memory_space<semaphore_mem>>
      %dma_start3A_37 = arith.constant 0 : i32
      %dma_start3A_38 = arith.constant 0 : i32
      %dma_start3A_39 = tpu.memref_slice %arg5[%add3A, %dma_start3A_37, %dma_start3A_38] : memref<32x54x96xi32, #tpu.memory_space<hbm>> -> memref<1x54x96xi32, #tpu.memory_space<hbm>>
      %dma_start3A_40 = tpu.memref_squeeze %dma_start3A_39 : memref<1x54x96xi32, #tpu.memory_space<hbm>> -> memref<54x96xi32, #tpu.memory_space<hbm>>
      %dma_start3A_41 = arith.constant 0 : i32
      %dma_start3A_42 = arith.constant 0 : i32
      %dma_start3A_43 = tpu.memref_slice %arg5[%add3A, %dma_start3A_41, %dma_start3A_42] : memref<32x54x96xi32, #tpu.memory_space<hbm>> -> memref<1x54x96xi32, #tpu.memory_space<hbm>>
      %dma_start3A_44 = tpu.memref_squeeze %dma_start3A_43 : memref<1x54x96xi32, #tpu.memory_space<hbm>> -> memref<54x96xi32, #tpu.memory_space<hbm>>
      tpu.enqueue_dma source(%dma_start3A_44 : memref<54x96xi32, #tpu.memory_space<hbm>>) target(%arg11 : memref<54x96xi32, #tpu.memory_space<vmem>>) target_semaphore(%run_scoped3A : memref<!tpu.dma_semaphore, #tpu.memory_space<semaphore_mem>>)
      %dma_wait3A = arith.constant 0 : i32
      %dma_wait3A_45 = arith.constant 0 : i32
      %dma_wait3A_46 = tpu.memref_slice %arg5[%add3A, %dma_wait3A, %dma_wait3A_45] : memref<32x54x96xi32, #tpu.memory_space<hbm>> -> memref<1x54x96xi32, #tpu.memory_space<hbm>>
      %dma_wait3A_47 = tpu.memref_squeeze %dma_wait3A_46 : memref<1x54x96xi32, #tpu.memory_space<hbm>> -> memref<54x96xi32, #tpu.memory_space<hbm>>
      %dma_wait3A_48 = arith.constant 0 : i32
      %dma_wait3A_49 = arith.constant 0 : i32
      %dma_wait3A_50 = tpu.memref_slice %arg5[%add3A, %dma_wait3A_48, %dma_wait3A_49] : memref<32x54x96xi32, #tpu.memory_space<hbm>> -> memref<1x54x96xi32, #tpu.memory_space<hbm>>
      %dma_wait3A_51 = tpu.memref_squeeze %dma_wait3A_50 : memref<1x54x96xi32, #tpu.memory_space<hbm>> -> memref<54x96xi32, #tpu.memory_space<hbm>>
      tpu.wait_dma2 semaphore(%run_scoped3A : memref<!tpu.dma_semaphore, #tpu.memory_space<semaphore_mem>>) src(%dma_wait3A_51 : memref<54x96xi32, #tpu.memory_space<hbm>>) dst(%arg11 : memref<54x96xi32, #tpu.memory_space<vmem>>)
      tpu.yield
    }) : () -> ()
    %scan3A = arith.constant 0 : i32
    %scan3A_3 = arith.constant 0 : i32
    %scan3A_4 = arith.constant 640 : i32
    %scan3A_5 = arith.addi %scan3A_3, %scan3A_4 : i32
    %scan3A_6 = arith.constant 1 : i32
    scf.for %scan3A_37 = %scan3A_3 to %scan3A_5 step %scan3A_6  : i32 {
      %broadcast_in_dim3A_38 = arith.constant 0.000000e+00 : f32
      %broadcast_in_dim3A_39 = vector.broadcast %broadcast_in_dim3A_38 : f32 to vector<16xf32>
      %mul3A_40 = arith.constant 16 : i32
      %mul3A_41 = arith.muli %scan3A_37, %mul3A_40 : i32
      %swap3A = arith.index_cast %mul3A_41 : i32 to index
      %swap3A_42 = tpu.vector_load %arg14[%swap3A] {strides = array<i32>} : memref<10240xf32, #tpu.memory_space<vmem>>, vector<16xf32>,
      tpu.vector_store %arg14[%swap3A], %broadcast_in_dim3A_39 {strides = array<i32>} : memref<10240xf32, #tpu.memory_space<vmem>>, vector<16xf32>,
    }
    %scan3A_7 = arith.constant 640 : i32
    %broadcast_in_dim3A = arith.constant 1.000000e+00 : f32
    "tpu.trace_stop"() : () -> ()
    %broadcast_in_dim3A_8 = vector.broadcast %broadcast_in_dim3A : f32 to vector<16xf32>
    %dma_start3A = arith.constant 0 : i32
    "tpu.trace_start"() <{level = 10 : i32, message = "sc_zero0"}> : () -> ()
    %dma_start3A_9 = arith.constant 0 : i32
    %dma_start3A_10 = tpu.memref_slice %arg10[%dma_start3A, %dma_start3A_9] : memref<54x96xi32, #tpu.memory_space<vmem>> -> memref<1x96xi32, #tpu.memory_space<vmem>>
    %dma_start3A_11 = tpu.memref_squeeze %dma_start3A_10 : memref<1x96xi32, #tpu.memory_space<vmem>> -> memref<96xi32, #tpu.memory_space<vmem>>
    %dma_start3A_12 = arith.constant 0 : i32
    %dma_start3A_13 = arith.constant 0 : i32
    %dma_start3A_14 = tpu.memref_slice %arg2[%dma_start3A_12, %dma_start3A_13] : memref<10000x128xf32, #tpu.memory_space<hbm>> -> memref<10000x128xf32, #tpu.memory_space<hbm>>
    tpu.enqueue_indirect_dma source(%dma_start3A_14 : memref<10000x128xf32, #tpu.memory_space<hbm>>) target(%arg12 : memref<96x128xf32, #tpu.memory_space<vmem>>) offsets(%dma_start3A_11 : memref<96xi32, #tpu.memory_space<vmem>>) semaphore(%arg16 : memref<!tpu.dma_semaphore, #tpu.memory_space<semaphore_mem>>)
    "tpu.region"() ({
      %run_scoped3A = tpu.sem_alloc : memref<!tpu.dma_semaphore, #tpu.memory_space<semaphore_mem>>
      %dma_start3A_37 = arith.constant 0 : i32
      %dma_start3A_38 = tpu.memref_slice %arg15[%mul3A_2, %dma_start3A_37] : memref<10240x128xf32, #tpu.memory_space<vmem_shared>> -> memref<640x128xf32, #tpu.memory_space<vmem_shared>>
      %dma_start3A_39 = arith.constant 0 : i32
      %dma_start3A_40 = tpu.memref_slice %arg6[%mul3A_2, %dma_start3A_39] : memref<10240x128xf32, #tpu.memory_space<hbm>> -> memref<640x128xf32, #tpu.memory_space<hbm>>
      tpu.enqueue_dma source(%dma_start3A_40 : memref<640x128xf32, #tpu.memory_space<hbm>>) target(%dma_start3A_38 : memref<640x128xf32, #tpu.memory_space<vmem_shared>>) target_semaphore(%run_scoped3A : memref<!tpu.dma_semaphore, #tpu.memory_space<semaphore_mem>>)
      %dma_wait3A = arith.constant 0 : i32
      %dma_wait3A_41 = tpu.memref_slice %arg15[%mul3A_2, %dma_wait3A] : memref<10240x128xf32, #tpu.memory_space<vmem_shared>> -> memref<640x128xf32, #tpu.memory_space<vmem_shared>>
      %dma_wait3A_42 = arith.constant 0 : i32
      %dma_wait3A_43 = tpu.memref_slice %arg6[%mul3A_2, %dma_wait3A_42] : memref<10240x128xf32, #tpu.memory_space<hbm>> -> memref<640x128xf32, #tpu.memory_space<hbm>>
      tpu.wait_dma2 semaphore(%run_scoped3A : memref<!tpu.dma_semaphore, #tpu.memory_space<semaphore_mem>>) src(%dma_wait3A_43 : memref<640x128xf32, #tpu.memory_space<hbm>>) dst(%dma_wait3A_41 : memref<640x128xf32, #tpu.memory_space<vmem_shared>>)
      tpu.yield
    }) : () -> ()
    %barrier3A = arith.constant 0 : index
    tpu.barrier barrier_id(%barrier3A)
    "tpu.trace_stop"() : () -> ()
    "tpu.trace_start"() <{level = 10 : i32, message = "sc_chunks0"}> : () -> ()
    %scan3A_15 = arith.constant 0 : i32
    %scan3A_16 = arith.constant 0 : i32
    %scan3A_17 = arith.constant 27 : i32
    %scan3A_18 = arith.addi %scan3A_16, %scan3A_17 : i32
    %scan3A_19 = arith.constant 1 : i32
    scf.for %scan3A_37 = %scan3A_16 to %scan3A_18 step %scan3A_19  : i32 {
      %mul3A_38 = arith.constant 2 : i32
      %mul3A_39 = arith.muli %mul3A_38, %scan3A_37 : i32
      %add3A_40 = arith.constant 0 : i32
      %add3A_41 = arith.addi %mul3A_39, %add3A_40 : i32
      %dma_wait3A = arith.constant 0 : i32
      %dma_wait3A_42 = tpu.memref_slice %arg10[%add3A_41, %dma_wait3A] : memref<54x96xi32, #tpu.memory_space<vmem>> -> memref<1x96xi32, #tpu.memory_space<vmem>>
      %dma_wait3A_43 = tpu.memref_squeeze %dma_wait3A_42 : memref<1x96xi32, #tpu.memory_space<vmem>> -> memref<96xi32, #tpu.memory_space<vmem>>
      %dma_wait3A_44 = arith.constant 0 : i32
      %dma_wait3A_45 = arith.constant 0 : i32
      %dma_wait3A_46 = tpu.memref_slice %arg2[%dma_wait3A_44, %dma_wait3A_45] : memref<10000x128xf32, #tpu.memory_space<hbm>> -> memref<10000x128xf32, #tpu.memory_space<hbm>>
      tpu.wait_indirect_dma semaphore(%arg16 : memref<!tpu.dma_semaphore, #tpu.memory_space<semaphore_mem>>) src(%dma_wait3A_46 : memref<10000x128xf32, #tpu.memory_space<hbm>>) dst(%arg12 : memref<96x128xf32, #tpu.memory_space<vmem>>)
      %add3A_47 = arith.constant 1 : i32
      %add3A_48 = arith.addi %add3A_41, %add3A_47 : i32
      %lt3A = arith.constant 54 : i32
      %lt3A_49 = arith.cmpi slt, %add3A_48, %lt3A : i32
      %convert_element_type3A = arith.extui %lt3A_49 : i1 to i32
      %cond3A = arith.constant 0 : i32
      %cond3A_50 = arith.cmpi ne, %convert_element_type3A, %cond3A : i32
      scf.if %cond3A_50 {
        %add3A_103 = arith.constant 1 : i32
        %add3A_104 = arith.addi %add3A_41, %add3A_103 : i32
        %dma_start3A_105 = arith.constant 0 : i32
        %dma_start3A_106 = tpu.memref_slice %arg10[%add3A_104, %dma_start3A_105] : memref<54x96xi32, #tpu.memory_space<vmem>> -> memref<1x96xi32, #tpu.memory_space<vmem>>
        %dma_start3A_107 = tpu.memref_squeeze %dma_start3A_106 : memref<1x96xi32, #tpu.memory_space<vmem>> -> memref<96xi32, #tpu.memory_space<vmem>>
        %dma_start3A_108 = arith.constant 0 : i32
        %dma_start3A_109 = arith.constant 0 : i32
        %dma_start3A_110 = tpu.memref_slice %arg2[%dma_start3A_108, %dma_start3A_109] : memref<10000x128xf32, #tpu.memory_space<hbm>> -> memref<10000x128xf32, #tpu.memory_space<hbm>>
        tpu.enqueue_indirect_dma source(%dma_start3A_110 : memref<10000x128xf32, #tpu.memory_space<hbm>>) target(%arg13 : memref<96x128xf32, #tpu.memory_space<vmem>>) offsets(%dma_start3A_107 : memref<96xi32, #tpu.memory_space<vmem>>) semaphore(%arg17 : memref<!tpu.dma_semaphore, #tpu.memory_space<semaphore_mem>>)
      } else {
      }
      %get3A = arith.index_cast %add3A_41 : i32 to index
      %get3A_51 = arith.constant 0 : index
      %get3A_52 = tpu.vector_load %arg11[%get3A, %get3A_51] {strides = array<i32>} : memref<54x96xi32, #tpu.memory_space<vmem>>, vector<16xi32>,
      tpu.vector_store_idx %arg14[%get3A_52], %broadcast_in_dim3A_8 {add = true} : memref<10240xf32, #tpu.memory_space<vmem>>[vector<16xi32>], vector<16xf32>,
      %get3A_53 = arith.index_cast %add3A_41 : i32 to index
      %get3A_54 = arith.constant 16 : index
      %get3A_55 = tpu.vector_load %arg11[%get3A_53, %get3A_54] {strides = array<i32>} : memref<54x96xi32, #tpu.memory_space<vmem>>, vector<16xi32>,
      tpu.vector_store_idx %arg14[%get3A_55], %broadcast_in_dim3A_8 {add = true} : memref<10240xf32, #tpu.memory_space<vmem>>[vector<16xi32>], vector<16xf32>,
      %get3A_56 = arith.index_cast %add3A_41 : i32 to index
      %get3A_57 = arith.constant 32 : index
      %get3A_58 = tpu.vector_load %arg11[%get3A_56, %get3A_57] {strides = array<i32>} : memref<54x96xi32, #tpu.memory_space<vmem>>, vector<16xi32>,
      tpu.vector_store_idx %arg14[%get3A_58], %broadcast_in_dim3A_8 {add = true} : memref<10240xf32, #tpu.memory_space<vmem>>[vector<16xi32>], vector<16xf32>,
      %get3A_59 = arith.index_cast %add3A_41 : i32 to index
      %get3A_60 = arith.constant 48 : index
      %get3A_61 = tpu.vector_load %arg11[%get3A_59, %get3A_60] {strides = array<i32>} : memref<54x96xi32, #tpu.memory_space<vmem>>, vector<16xi32>,
      tpu.vector_store_idx %arg14[%get3A_61], %broadcast_in_dim3A_8 {add = true} : memref<10240xf32, #tpu.memory_space<vmem>>[vector<16xi32>], vector<16xf32>,
      %get3A_62 = arith.index_cast %add3A_41 : i32 to index
      %get3A_63 = arith.constant 64 : index
      %get3A_64 = tpu.vector_load %arg11[%get3A_62, %get3A_63] {strides = array<i32>} : memref<54x96xi32, #tpu.memory_space<vmem>>, vector<16xi32>,
      tpu.vector_store_idx %arg14[%get3A_64], %broadcast_in_dim3A_8 {add = true} : memref<10240xf32, #tpu.memory_space<vmem>>[vector<16xi32>], vector<16xf32>,
      %get3A_65 = arith.index_cast %add3A_41 : i32 to index
      %get3A_66 = arith.constant 80 : index
      %get3A_67 = tpu.vector_load %arg11[%get3A_65, %get3A_66] {strides = array<i32>} : memref<54x96xi32, #tpu.memory_space<vmem>>, vector<16xi32>,
      tpu.vector_store_idx %arg14[%get3A_67], %broadcast_in_dim3A_8 {add = true} : memref<10240xf32, #tpu.memory_space<vmem>>[vector<16xi32>], vector<16xf32>,
      "tpu.region"() ({
        %run_scoped3A = tpu.sem_alloc : memref<!tpu.dma_semaphore, #tpu.memory_space<semaphore_mem>>
        %dma_start3A_103 = arith.constant 0 : i32
        %dma_start3A_104 = tpu.memref_slice %arg11[%add3A_41, %dma_start3A_103] : memref<54x96xi32, #tpu.memory_space<vmem>> -> memref<1x96xi32, #tpu.memory_space<vmem>>
        %dma_start3A_105 = tpu.memref_squeeze %dma_start3A_104 : memref<1x96xi32, #tpu.memory_space<vmem>> -> memref<96xi32, #tpu.memory_space<vmem>>
        %dma_start3A_106 = arith.constant 0 : i32
        %dma_start3A_107 = arith.constant 0 : i32
        %dma_start3A_108 = tpu.memref_slice %arg15[%dma_start3A_106, %dma_start3A_107] : memref<10240x128xf32, #tpu.memory_space<vmem_shared>> -> memref<10240x128xf32, #tpu.memory_space<vmem_shared>>
        tpu.enqueue_indirect_dma source(%arg12 : memref<96x128xf32, #tpu.memory_space<vmem>>) target(%dma_start3A_108 : memref<10240x128xf32, #tpu.memory_space<vmem_shared>>) offsets(%dma_start3A_105 : memref<96xi32, #tpu.memory_space<vmem>>) semaphore(%run_scoped3A : memref<!tpu.dma_semaphore, #tpu.memory_space<semaphore_mem>>) {add = true}
        %dma_wait3A_109 = arith.constant 0 : i32
        %dma_wait3A_110 = tpu.memref_slice %arg11[%add3A_41, %dma_wait3A_109] : memref<54x96xi32, #tpu.memory_space<vmem>> -> memref<1x96xi32, #tpu.memory_space<vmem>>
        %dma_wait3A_111 = tpu.memref_squeeze %dma_wait3A_110 : memref<1x96xi32, #tpu.memory_space<vmem>> -> memref<96xi32, #tpu.memory_space<vmem>>
        %dma_wait3A_112 = arith.constant 0 : i32
        %dma_wait3A_113 = arith.constant 0 : i32
        %dma_wait3A_114 = tpu.memref_slice %arg15[%dma_wait3A_112, %dma_wait3A_113] : memref<10240x128xf32, #tpu.memory_space<vmem_shared>> -> memref<10240x128xf32, #tpu.memory_space<vmem_shared>>
        tpu.wait_indirect_dma semaphore(%run_scoped3A : memref<!tpu.dma_semaphore, #tpu.memory_space<semaphore_mem>>) src(%arg12 : memref<96x128xf32, #tpu.memory_space<vmem>>) dst(%dma_wait3A_114 : memref<10240x128xf32, #tpu.memory_space<vmem_shared>>)
        tpu.yield
      }) : () -> ()
      %mul3A_68 = arith.constant 2 : i32
      %mul3A_69 = arith.muli %mul3A_68, %scan3A_37 : i32
      %add3A_70 = arith.constant 1 : i32
      %add3A_71 = arith.addi %mul3A_69, %add3A_70 : i32
      %dma_wait3A_72 = arith.constant 0 : i32
      %dma_wait3A_73 = tpu.memref_slice %arg10[%add3A_71, %dma_wait3A_72] : memref<54x96xi32, #tpu.memory_space<vmem>> -> memref<1x96xi32, #tpu.memory_space<vmem>>
      %dma_wait3A_74 = tpu.memref_squeeze %dma_wait3A_73 : memref<1x96xi32, #tpu.memory_space<vmem>> -> memref<96xi32, #tpu.memory_space<vmem>>
      %dma_wait3A_75 = arith.constant 0 : i32
      %dma_wait3A_76 = arith.constant 0 : i32
      %dma_wait3A_77 = tpu.memref_slice %arg2[%dma_wait3A_75, %dma_wait3A_76] : memref<10000x128xf32, #tpu.memory_space<hbm>> -> memref<10000x128xf32, #tpu.memory_space<hbm>>
      tpu.wait_indirect_dma semaphore(%arg17 : memref<!tpu.dma_semaphore, #tpu.memory_space<semaphore_mem>>) src(%dma_wait3A_77 : memref<10000x128xf32, #tpu.memory_space<hbm>>) dst(%arg13 : memref<96x128xf32, #tpu.memory_space<vmem>>)
      %add3A_78 = arith.constant 1 : i32
      %add3A_79 = arith.addi %add3A_71, %add3A_78 : i32
      %lt3A_80 = arith.constant 54 : i32
      %lt3A_81 = arith.cmpi slt, %add3A_79, %lt3A_80 : i32
      %convert_element_type3A_82 = arith.extui %lt3A_81 : i1 to i32
      %cond3A_83 = arith.constant 0 : i32
      %cond3A_84 = arith.cmpi ne, %convert_element_type3A_82, %cond3A_83 : i32
      scf.if %cond3A_84 {
        %add3A_103 = arith.constant 1 : i32
        %add3A_104 = arith.addi %add3A_71, %add3A_103 : i32
        %dma_start3A_105 = arith.constant 0 : i32
        %dma_start3A_106 = tpu.memref_slice %arg10[%add3A_104, %dma_start3A_105] : memref<54x96xi32, #tpu.memory_space<vmem>> -> memref<1x96xi32, #tpu.memory_space<vmem>>
        %dma_start3A_107 = tpu.memref_squeeze %dma_start3A_106 : memref<1x96xi32, #tpu.memory_space<vmem>> -> memref<96xi32, #tpu.memory_space<vmem>>
        %dma_start3A_108 = arith.constant 0 : i32
        %dma_start3A_109 = arith.constant 0 : i32
        %dma_start3A_110 = tpu.memref_slice %arg2[%dma_start3A_108, %dma_start3A_109] : memref<10000x128xf32, #tpu.memory_space<hbm>> -> memref<10000x128xf32, #tpu.memory_space<hbm>>
        tpu.enqueue_indirect_dma source(%dma_start3A_110 : memref<10000x128xf32, #tpu.memory_space<hbm>>) target(%arg12 : memref<96x128xf32, #tpu.memory_space<vmem>>) offsets(%dma_start3A_107 : memref<96xi32, #tpu.memory_space<vmem>>) semaphore(%arg16 : memref<!tpu.dma_semaphore, #tpu.memory_space<semaphore_mem>>)
      } else {
      }
      %get3A_85 = arith.index_cast %add3A_71 : i32 to index
      %get3A_86 = arith.constant 0 : index
      %get3A_87 = tpu.vector_load %arg11[%get3A_85, %get3A_86] {strides = array<i32>} : memref<54x96xi32, #tpu.memory_space<vmem>>, vector<16xi32>,
      tpu.vector_store_idx %arg14[%get3A_87], %broadcast_in_dim3A_8 {add = true} : memref<10240xf32, #tpu.memory_space<vmem>>[vector<16xi32>], vector<16xf32>,
      %get3A_88 = arith.index_cast %add3A_71 : i32 to index
      %get3A_89 = arith.constant 16 : index
      %get3A_90 = tpu.vector_load %arg11[%get3A_88, %get3A_89] {strides = array<i32>} : memref<54x96xi32, #tpu.memory_space<vmem>>, vector<16xi32>,
      tpu.vector_store_idx %arg14[%get3A_90], %broadcast_in_dim3A_8 {add = true} : memref<10240xf32, #tpu.memory_space<vmem>>[vector<16xi32>], vector<16xf32>,
      %get3A_91 = arith.index_cast %add3A_71 : i32 to index
      %get3A_92 = arith.constant 32 : index
      %get3A_93 = tpu.vector_load %arg11[%get3A_91, %get3A_92] {strides = array<i32>} : memref<54x96xi32, #tpu.memory_space<vmem>>, vector<16xi32>,
      tpu.vector_store_idx %arg14[%get3A_93], %broadcast_in_dim3A_8 {add = true} : memref<10240xf32, #tpu.memory_space<vmem>>[vector<16xi32>], vector<16xf32>,
      %get3A_94 = arith.index_cast %add3A_71 : i32 to index
      %get3A_95 = arith.constant 48 : index
      %get3A_96 = tpu.vector_load %arg11[%get3A_94, %get3A_95] {strides = array<i32>} : memref<54x96xi32, #tpu.memory_space<vmem>>, vector<16xi32>,
      tpu.vector_store_idx %arg14[%get3A_96], %broadcast_in_dim3A_8 {add = true} : memref<10240xf32, #tpu.memory_space<vmem>>[vector<16xi32>], vector<16xf32>,
      %get3A_97 = arith.index_cast %add3A_71 : i32 to index
      %get3A_98 = arith.constant 64 : index
      %get3A_99 = tpu.vector_load %arg11[%get3A_97, %get3A_98] {strides = array<i32>} : memref<54x96xi32, #tpu.memory_space<vmem>>, vector<16xi32>,
      tpu.vector_store_idx %arg14[%get3A_99], %broadcast_in_dim3A_8 {add = true} : memref<10240xf32, #tpu.memory_space<vmem>>[vector<16xi32>], vector<16xf32>,
      %get3A_100 = arith.index_cast %add3A_71 : i32 to index
      %get3A_101 = arith.constant 80 : index
      %get3A_102 = tpu.vector_load %arg11[%get3A_100, %get3A_101] {strides = array<i32>} : memref<54x96xi32, #tpu.memory_space<vmem>>, vector<16xi32>,
      tpu.vector_store_idx %arg14[%get3A_102], %broadcast_in_dim3A_8 {add = true} : memref<10240xf32, #tpu.memory_space<vmem>>[vector<16xi32>], vector<16xf32>,
      "tpu.region"() ({
        %run_scoped3A = tpu.sem_alloc : memref<!tpu.dma_semaphore, #tpu.memory_space<semaphore_mem>>
        %dma_start3A_103 = arith.constant 0 : i32
        %dma_start3A_104 = tpu.memref_slice %arg11[%add3A_71, %dma_start3A_103] : memref<54x96xi32, #tpu.memory_space<vmem>> -> memref<1x96xi32, #tpu.memory_space<vmem>>
        %dma_start3A_105 = tpu.memref_squeeze %dma_start3A_104 : memref<1x96xi32, #tpu.memory_space<vmem>> -> memref<96xi32, #tpu.memory_space<vmem>>
        %dma_start3A_106 = arith.constant 0 : i32
        %dma_start3A_107 = arith.constant 0 : i32
        %dma_start3A_108 = tpu.memref_slice %arg15[%dma_start3A_106, %dma_start3A_107] : memref<10240x128xf32, #tpu.memory_space<vmem_shared>> -> memref<10240x128xf32, #tpu.memory_space<vmem_shared>>
        tpu.enqueue_indirect_dma source(%arg13 : memref<96x128xf32, #tpu.memory_space<vmem>>) target(%dma_start3A_108 : memref<10240x128xf32, #tpu.memory_space<vmem_shared>>) offsets(%dma_start3A_105 : memref<96xi32, #tpu.memory_space<vmem>>) semaphore(%run_scoped3A : memref<!tpu.dma_semaphore, #tpu.memory_space<semaphore_mem>>) {add = true}
        %dma_wait3A_109 = arith.constant 0 : i32
        %dma_wait3A_110 = tpu.memref_slice %arg11[%add3A_71, %dma_wait3A_109] : memref<54x96xi32, #tpu.memory_space<vmem>> -> memref<1x96xi32, #tpu.memory_space<vmem>>
        %dma_wait3A_111 = tpu.memref_squeeze %dma_wait3A_110 : memref<1x96xi32, #tpu.memory_space<vmem>> -> memref<96xi32, #tpu.memory_space<vmem>>
        %dma_wait3A_112 = arith.constant 0 : i32
        %dma_wait3A_113 = arith.constant 0 : i32
        %dma_wait3A_114 = tpu.memref_slice %arg15[%dma_wait3A_112, %dma_wait3A_113] : memref<10240x128xf32, #tpu.memory_space<vmem_shared>> -> memref<10240x128xf32, #tpu.memory_space<vmem_shared>>
        tpu.wait_indirect_dma semaphore(%run_scoped3A : memref<!tpu.dma_semaphore, #tpu.memory_space<semaphore_mem>>) src(%arg13 : memref<96x128xf32, #tpu.memory_space<vmem>>) dst(%dma_wait3A_114 : memref<10240x128xf32, #tpu.memory_space<vmem_shared>>)
        tpu.yield
      }) : () -> ()
    }
    %scan3A_20 = arith.constant 27 : i32
    %barrier3A_21 = arith.constant 0 : index
    tpu.barrier barrier_id(%barrier3A_21)
    %dma_start3A_22 = arith.constant 0 : i32
    "tpu.trace_stop"() : () -> ()
    "tpu.trace_start"() <{level = 10 : i32, message = "sc_turn"}> : () -> ()
    %dma_start3A_23 = arith.constant 0 : i32
    %dma_start3A_24 = tpu.memref_slice %arg10[%dma_start3A_22, %dma_start3A_23] : memref<54x96xi32, #tpu.memory_space<vmem>> -> memref<1x96xi32, #tpu.memory_space<vmem>>
    %dma_start3A_25 = tpu.memref_squeeze %dma_start3A_24 : memref<1x96xi32, #tpu.memory_space<vmem>> -> memref<96xi32, #tpu.memory_space<vmem>>
    %dma_start3A_26 = arith.constant 0 : i32
    %dma_start3A_27 = arith.constant 0 : i32
    %dma_start3A_28 = tpu.memref_slice %arg3[%dma_start3A_26, %dma_start3A_27] : memref<10000x128xf32, #tpu.memory_space<hbm>> -> memref<10000x128xf32, #tpu.memory_space<hbm>>
    tpu.enqueue_indirect_dma source(%dma_start3A_28 : memref<10000x128xf32, #tpu.memory_space<hbm>>) target(%arg12 : memref<96x128xf32, #tpu.memory_space<vmem>>) offsets(%dma_start3A_25 : memref<96xi32, #tpu.memory_space<vmem>>) semaphore(%arg16 : memref<!tpu.dma_semaphore, #tpu.memory_space<semaphore_mem>>)
    "tpu.region"() ({
      %run_scoped3A = tpu.sem_alloc : memref<!tpu.dma_semaphore, #tpu.memory_space<semaphore_mem>>
      %dma_start3A_37 = arith.constant 0 : i32
      %dma_start3A_38 = arith.constant 0 : i32
      %dma_start3A_39 = tpu.memref_slice %arg7[%arg0, %dma_start3A_37, %dma_start3A_38] : memref<2x10240x128xf32, #tpu.memory_space<hbm>> -> memref<1x10240x128xf32, #tpu.memory_space<hbm>>
      %dma_start3A_40 = tpu.memref_squeeze %dma_start3A_39 : memref<1x10240x128xf32, #tpu.memory_space<hbm>> -> memref<10240x128xf32, #tpu.memory_space<hbm>>
      %dma_start3A_41 = arith.constant 0 : i32
      %dma_start3A_42 = tpu.memref_slice %dma_start3A_40[%mul3A_2, %dma_start3A_41] : memref<10240x128xf32, #tpu.memory_space<hbm>> -> memref<640x128xf32, #tpu.memory_space<hbm>>
      %dma_start3A_43 = arith.constant 0 : i32
      %dma_start3A_44 = tpu.memref_slice %arg15[%mul3A_2, %dma_start3A_43] : memref<10240x128xf32, #tpu.memory_space<vmem_shared>> -> memref<640x128xf32, #tpu.memory_space<vmem_shared>>
      tpu.enqueue_dma source(%dma_start3A_44 : memref<640x128xf32, #tpu.memory_space<vmem_shared>>) target(%dma_start3A_42 : memref<640x128xf32, #tpu.memory_space<hbm>>) target_semaphore(%run_scoped3A : memref<!tpu.dma_semaphore, #tpu.memory_space<semaphore_mem>>)
      %dma_wait3A = arith.constant 0 : i32
      %dma_wait3A_45 = arith.constant 0 : i32
      %dma_wait3A_46 = tpu.memref_slice %arg7[%arg0, %dma_wait3A, %dma_wait3A_45] : memref<2x10240x128xf32, #tpu.memory_space<hbm>> -> memref<1x10240x128xf32, #tpu.memory_space<hbm>>
      %dma_wait3A_47 = tpu.memref_squeeze %dma_wait3A_46 : memref<1x10240x128xf32, #tpu.memory_space<hbm>> -> memref<10240x128xf32, #tpu.memory_space<hbm>>
      %dma_wait3A_48 = arith.constant 0 : i32
      %dma_wait3A_49 = tpu.memref_slice %dma_wait3A_47[%mul3A_2, %dma_wait3A_48] : memref<10240x128xf32, #tpu.memory_space<hbm>> -> memref<640x128xf32, #tpu.memory_space<hbm>>
      %dma_wait3A_50 = arith.constant 0 : i32
      %dma_wait3A_51 = tpu.memref_slice %arg15[%mul3A_2, %dma_wait3A_50] : memref<10240x128xf32, #tpu.memory_space<vmem_shared>> -> memref<640x128xf32, #tpu.memory_space<vmem_shared>>
      tpu.wait_dma2 semaphore(%run_scoped3A : memref<!tpu.dma_semaphore, #tpu.memory_space<semaphore_mem>>) src(%dma_wait3A_51 : memref<640x128xf32, #tpu.memory_space<vmem_shared>>) dst(%dma_wait3A_49 : memref<640x128xf32, #tpu.memory_space<hbm>>)
      tpu.yield
    }) : () -> ()
    "tpu.region"() ({
      %run_scoped3A = tpu.sem_alloc : memref<!tpu.dma_semaphore, #tpu.memory_space<semaphore_mem>>
      %dma_start3A_37 = arith.constant 0 : i32
      %dma_start3A_38 = tpu.memref_slice %arg15[%mul3A_2, %dma_start3A_37] : memref<10240x128xf32, #tpu.memory_space<vmem_shared>> -> memref<640x128xf32, #tpu.memory_space<vmem_shared>>
      %dma_start3A_39 = arith.constant 0 : i32
      %dma_start3A_40 = tpu.memref_slice %arg6[%mul3A_2, %dma_start3A_39] : memref<10240x128xf32, #tpu.memory_space<hbm>> -> memref<640x128xf32, #tpu.memory_space<hbm>>
      tpu.enqueue_dma source(%dma_start3A_40 : memref<640x128xf32, #tpu.memory_space<hbm>>) target(%dma_start3A_38 : memref<640x128xf32, #tpu.memory_space<vmem_shared>>) target_semaphore(%run_scoped3A : memref<!tpu.dma_semaphore, #tpu.memory_space<semaphore_mem>>)
      %dma_wait3A = arith.constant 0 : i32
      %dma_wait3A_41 = tpu.memref_slice %arg15[%mul3A_2, %dma_wait3A] : memref<10240x128xf32, #tpu.memory_space<vmem_shared>> -> memref<640x128xf32, #tpu.memory_space<vmem_shared>>
      %dma_wait3A_42 = arith.constant 0 : i32
      %dma_wait3A_43 = tpu.memref_slice %arg6[%mul3A_2, %dma_wait3A_42] : memref<10240x128xf32, #tpu.memory_space<hbm>> -> memref<640x128xf32, #tpu.memory_space<hbm>>
      tpu.wait_dma2 semaphore(%run_scoped3A : memref<!tpu.dma_semaphore, #tpu.memory_space<semaphore_mem>>) src(%dma_wait3A_43 : memref<640x128xf32, #tpu.memory_space<hbm>>) dst(%dma_wait3A_41 : memref<640x128xf32, #tpu.memory_space<vmem_shared>>)
      tpu.yield
    }) : () -> ()
    %barrier3A_29 = arith.constant 0 : index
    tpu.barrier barrier_id(%barrier3A_29)
    "tpu.trace_stop"() : () -> ()
    "tpu.trace_start"() <{level = 10 : i32, message = "sc_chunks1"}> : () -> ()
    %scan3A_30 = arith.constant 0 : i32
    %scan3A_31 = arith.constant 0 : i32
    %scan3A_32 = arith.constant 27 : i32
    %scan3A_33 = arith.addi %scan3A_31, %scan3A_32 : i32
    %scan3A_34 = arith.constant 1 : i32
    scf.for %scan3A_37 = %scan3A_31 to %scan3A_33 step %scan3A_34  : i32 {
      %mul3A_38 = arith.constant 2 : i32
      %mul3A_39 = arith.muli %mul3A_38, %scan3A_37 : i32
      %add3A_40 = arith.constant 0 : i32
      %add3A_41 = arith.addi %mul3A_39, %add3A_40 : i32
      %dma_wait3A = arith.constant 0 : i32
      %dma_wait3A_42 = tpu.memref_slice %arg10[%add3A_41, %dma_wait3A] : memref<54x96xi32, #tpu.memory_space<vmem>> -> memref<1x96xi32, #tpu.memory_space<vmem>>
      %dma_wait3A_43 = tpu.memref_squeeze %dma_wait3A_42 : memref<1x96xi32, #tpu.memory_space<vmem>> -> memref<96xi32, #tpu.memory_space<vmem>>
      %dma_wait3A_44 = arith.constant 0 : i32
      %dma_wait3A_45 = arith.constant 0 : i32
      %dma_wait3A_46 = tpu.memref_slice %arg3[%dma_wait3A_44, %dma_wait3A_45] : memref<10000x128xf32, #tpu.memory_space<hbm>> -> memref<10000x128xf32, #tpu.memory_space<hbm>>
      tpu.wait_indirect_dma semaphore(%arg16 : memref<!tpu.dma_semaphore, #tpu.memory_space<semaphore_mem>>) src(%dma_wait3A_46 : memref<10000x128xf32, #tpu.memory_space<hbm>>) dst(%arg12 : memref<96x128xf32, #tpu.memory_space<vmem>>)
      %add3A_47 = arith.constant 1 : i32
      %add3A_48 = arith.addi %add3A_41, %add3A_47 : i32
      %lt3A = arith.constant 54 : i32
      %lt3A_49 = arith.cmpi slt, %add3A_48, %lt3A : i32
      %convert_element_type3A = arith.extui %lt3A_49 : i1 to i32
      %cond3A = arith.constant 0 : i32
      %cond3A_50 = arith.cmpi ne, %convert_element_type3A, %cond3A : i32
      scf.if %cond3A_50 {
        %add3A_68 = arith.constant 1 : i32
        %add3A_69 = arith.addi %add3A_41, %add3A_68 : i32
        %dma_start3A_70 = arith.constant 0 : i32
        %dma_start3A_71 = tpu.memref_slice %arg10[%add3A_69, %dma_start3A_70] : memref<54x96xi32, #tpu.memory_space<vmem>> -> memref<1x96xi32, #tpu.memory_space<vmem>>
        %dma_start3A_72 = tpu.memref_squeeze %dma_start3A_71 : memref<1x96xi32, #tpu.memory_space<vmem>> -> memref<96xi32, #tpu.memory_space<vmem>>
        %dma_start3A_73 = arith.constant 0 : i32
        %dma_start3A_74 = arith.constant 0 : i32
        %dma_start3A_75 = tpu.memref_slice %arg3[%dma_start3A_73, %dma_start3A_74] : memref<10000x128xf32, #tpu.memory_space<hbm>> -> memref<10000x128xf32, #tpu.memory_space<hbm>>
        tpu.enqueue_indirect_dma source(%dma_start3A_75 : memref<10000x128xf32, #tpu.memory_space<hbm>>) target(%arg13 : memref<96x128xf32, #tpu.memory_space<vmem>>) offsets(%dma_start3A_72 : memref<96xi32, #tpu.memory_space<vmem>>) semaphore(%arg17 : memref<!tpu.dma_semaphore, #tpu.memory_space<semaphore_mem>>)
      } else {
      }
      "tpu.region"() ({
        %run_scoped3A = tpu.sem_alloc : memref<!tpu.dma_semaphore, #tpu.memory_space<semaphore_mem>>
        %dma_start3A_68 = arith.constant 0 : i32
        %dma_start3A_69 = tpu.memref_slice %arg11[%add3A_41, %dma_start3A_68] : memref<54x96xi32, #tpu.memory_space<vmem>> -> memref<1x96xi32, #tpu.memory_space<vmem>>
        %dma_start3A_70 = tpu.memref_squeeze %dma_start3A_69 : memref<1x96xi32, #tpu.memory_space<vmem>> -> memref<96xi32, #tpu.memory_space<vmem>>
        %dma_start3A_71 = arith.constant 0 : i32
        %dma_start3A_72 = arith.constant 0 : i32
        %dma_start3A_73 = tpu.memref_slice %arg15[%dma_start3A_71, %dma_start3A_72] : memref<10240x128xf32, #tpu.memory_space<vmem_shared>> -> memref<10240x128xf32, #tpu.memory_space<vmem_shared>>
        tpu.enqueue_indirect_dma source(%arg12 : memref<96x128xf32, #tpu.memory_space<vmem>>) target(%dma_start3A_73 : memref<10240x128xf32, #tpu.memory_space<vmem_shared>>) offsets(%dma_start3A_70 : memref<96xi32, #tpu.memory_space<vmem>>) semaphore(%run_scoped3A : memref<!tpu.dma_semaphore, #tpu.memory_space<semaphore_mem>>) {add = true}
        %dma_wait3A_74 = arith.constant 0 : i32
        %dma_wait3A_75 = tpu.memref_slice %arg11[%add3A_41, %dma_wait3A_74] : memref<54x96xi32, #tpu.memory_space<vmem>> -> memref<1x96xi32, #tpu.memory_space<vmem>>
        %dma_wait3A_76 = tpu.memref_squeeze %dma_wait3A_75 : memref<1x96xi32, #tpu.memory_space<vmem>> -> memref<96xi32, #tpu.memory_space<vmem>>
        %dma_wait3A_77 = arith.constant 0 : i32
        %dma_wait3A_78 = arith.constant 0 : i32
        %dma_wait3A_79 = tpu.memref_slice %arg15[%dma_wait3A_77, %dma_wait3A_78] : memref<10240x128xf32, #tpu.memory_space<vmem_shared>> -> memref<10240x128xf32, #tpu.memory_space<vmem_shared>>
        tpu.wait_indirect_dma semaphore(%run_scoped3A : memref<!tpu.dma_semaphore, #tpu.memory_space<semaphore_mem>>) src(%arg12 : memref<96x128xf32, #tpu.memory_space<vmem>>) dst(%dma_wait3A_79 : memref<10240x128xf32, #tpu.memory_space<vmem_shared>>)
        tpu.yield
      }) : () -> ()
      %mul3A_51 = arith.constant 2 : i32
      %mul3A_52 = arith.muli %mul3A_51, %scan3A_37 : i32
      %add3A_53 = arith.constant 1 : i32
      %add3A_54 = arith.addi %mul3A_52, %add3A_53 : i32
      %dma_wait3A_55 = arith.constant 0 : i32
      %dma_wait3A_56 = tpu.memref_slice %arg10[%add3A_54, %dma_wait3A_55] : memref<54x96xi32, #tpu.memory_space<vmem>> -> memref<1x96xi32, #tpu.memory_space<vmem>>
      %dma_wait3A_57 = tpu.memref_squeeze %dma_wait3A_56 : memref<1x96xi32, #tpu.memory_space<vmem>> -> memref<96xi32, #tpu.memory_space<vmem>>
      %dma_wait3A_58 = arith.constant 0 : i32
      %dma_wait3A_59 = arith.constant 0 : i32
      %dma_wait3A_60 = tpu.memref_slice %arg3[%dma_wait3A_58, %dma_wait3A_59] : memref<10000x128xf32, #tpu.memory_space<hbm>> -> memref<10000x128xf32, #tpu.memory_space<hbm>>
      tpu.wait_indirect_dma semaphore(%arg17 : memref<!tpu.dma_semaphore, #tpu.memory_space<semaphore_mem>>) src(%dma_wait3A_60 : memref<10000x128xf32, #tpu.memory_space<hbm>>) dst(%arg13 : memref<96x128xf32, #tpu.memory_space<vmem>>)
      %add3A_61 = arith.constant 1 : i32
      %add3A_62 = arith.addi %add3A_54, %add3A_61 : i32
      %lt3A_63 = arith.constant 54 : i32
      %lt3A_64 = arith.cmpi slt, %add3A_62, %lt3A_63 : i32
      %convert_element_type3A_65 = arith.extui %lt3A_64 : i1 to i32
      %cond3A_66 = arith.constant 0 : i32
      %cond3A_67 = arith.cmpi ne, %convert_element_type3A_65, %cond3A_66 : i32
      scf.if %cond3A_67 {
        %add3A_68 = arith.constant 1 : i32
        %add3A_69 = arith.addi %add3A_54, %add3A_68 : i32
        %dma_start3A_70 = arith.constant 0 : i32
        %dma_start3A_71 = tpu.memref_slice %arg10[%add3A_69, %dma_start3A_70] : memref<54x96xi32, #tpu.memory_space<vmem>> -> memref<1x96xi32, #tpu.memory_space<vmem>>
        %dma_start3A_72 = tpu.memref_squeeze %dma_start3A_71 : memref<1x96xi32, #tpu.memory_space<vmem>> -> memref<96xi32, #tpu.memory_space<vmem>>
        %dma_start3A_73 = arith.constant 0 : i32
        %dma_start3A_74 = arith.constant 0 : i32
        %dma_start3A_75 = tpu.memref_slice %arg3[%dma_start3A_73, %dma_start3A_74] : memref<10000x128xf32, #tpu.memory_space<hbm>> -> memref<10000x128xf32, #tpu.memory_space<hbm>>
        tpu.enqueue_indirect_dma source(%dma_start3A_75 : memref<10000x128xf32, #tpu.memory_space<hbm>>) target(%arg12 : memref<96x128xf32, #tpu.memory_space<vmem>>) offsets(%dma_start3A_72 : memref<96xi32, #tpu.memory_space<vmem>>) semaphore(%arg16 : memref<!tpu.dma_semaphore, #tpu.memory_space<semaphore_mem>>)
      } else {
      }
      "tpu.region"() ({
        %run_scoped3A = tpu.sem_alloc : memref<!tpu.dma_semaphore, #tpu.memory_space<semaphore_mem>>
        %dma_start3A_68 = arith.constant 0 : i32
        %dma_start3A_69 = tpu.memref_slice %arg11[%add3A_54, %dma_start3A_68] : memref<54x96xi32, #tpu.memory_space<vmem>> -> memref<1x96xi32, #tpu.memory_space<vmem>>
        %dma_start3A_70 = tpu.memref_squeeze %dma_start3A_69 : memref<1x96xi32, #tpu.memory_space<vmem>> -> memref<96xi32, #tpu.memory_space<vmem>>
        %dma_start3A_71 = arith.constant 0 : i32
        %dma_start3A_72 = arith.constant 0 : i32
        %dma_start3A_73 = tpu.memref_slice %arg15[%dma_start3A_71, %dma_start3A_72] : memref<10240x128xf32, #tpu.memory_space<vmem_shared>> -> memref<10240x128xf32, #tpu.memory_space<vmem_shared>>
        tpu.enqueue_indirect_dma source(%arg13 : memref<96x128xf32, #tpu.memory_space<vmem>>) target(%dma_start3A_73 : memref<10240x128xf32, #tpu.memory_space<vmem_shared>>) offsets(%dma_start3A_70 : memref<96xi32, #tpu.memory_space<vmem>>) semaphore(%run_scoped3A : memref<!tpu.dma_semaphore, #tpu.memory_space<semaphore_mem>>) {add = true}
        %dma_wait3A_74 = arith.constant 0 : i32
        %dma_wait3A_75 = tpu.memref_slice %arg11[%add3A_54, %dma_wait3A_74] : memref<54x96xi32, #tpu.memory_space<vmem>> -> memref<1x96xi32, #tpu.memory_space<vmem>>
        %dma_wait3A_76 = tpu.memref_squeeze %dma_wait3A_75 : memref<1x96xi32, #tpu.memory_space<vmem>> -> memref<96xi32, #tpu.memory_space<vmem>>
        %dma_wait3A_77 = arith.constant 0 : i32
        %dma_wait3A_78 = arith.constant 0 : i32
        %dma_wait3A_79 = tpu.memref_slice %arg15[%dma_wait3A_77, %dma_wait3A_78] : memref<10240x128xf32, #tpu.memory_space<vmem_shared>> -> memref<10240x128xf32, #tpu.memory_space<vmem_shared>>
        tpu.wait_indirect_dma semaphore(%run_scoped3A : memref<!tpu.dma_semaphore, #tpu.memory_space<semaphore_mem>>) src(%arg13 : memref<96x128xf32, #tpu.memory_space<vmem>>) dst(%dma_wait3A_79 : memref<10240x128xf32, #tpu.memory_space<vmem_shared>>)
        tpu.yield
      }) : () -> ()
    }
    %scan3A_35 = arith.constant 27 : i32
    %barrier3A_36 = arith.constant 0 : index
    tpu.barrier barrier_id(%barrier3A_36)
    "tpu.trace_stop"() : () -> ()
    "tpu.trace_start"() <{level = 10 : i32, message = "sc_out1"}> : () -> ()
    "tpu.region"() ({
      %run_scoped3A = tpu.sem_alloc : memref<!tpu.dma_semaphore, #tpu.memory_space<semaphore_mem>>
      %dma_start3A_37 = arith.constant 0 : i32
      %dma_start3A_38 = arith.constant 0 : i32
      %dma_start3A_39 = tpu.memref_slice %arg8[%arg0, %dma_start3A_37, %dma_start3A_38] : memref<2x10240x128xf32, #tpu.memory_space<hbm>> -> memref<1x10240x128xf32, #tpu.memory_space<hbm>>
      %dma_start3A_40 = tpu.memref_squeeze %dma_start3A_39 : memref<1x10240x128xf32, #tpu.memory_space<hbm>> -> memref<10240x128xf32, #tpu.memory_space<hbm>>
      %dma_start3A_41 = arith.constant 0 : i32
      %dma_start3A_42 = tpu.memref_slice %dma_start3A_40[%mul3A_2, %dma_start3A_41] : memref<10240x128xf32, #tpu.memory_space<hbm>> -> memref<640x128xf32, #tpu.memory_space<hbm>>
      %dma_start3A_43 = arith.constant 0 : i32
      %dma_start3A_44 = tpu.memref_slice %arg15[%mul3A_2, %dma_start3A_43] : memref<10240x128xf32, #tpu.memory_space<vmem_shared>> -> memref<640x128xf32, #tpu.memory_space<vmem_shared>>
      tpu.enqueue_dma source(%dma_start3A_44 : memref<640x128xf32, #tpu.memory_space<vmem_shared>>) target(%dma_start3A_42 : memref<640x128xf32, #tpu.memory_space<hbm>>) target_semaphore(%run_scoped3A : memref<!tpu.dma_semaphore, #tpu.memory_space<semaphore_mem>>)
      %dma_wait3A = arith.constant 0 : i32
      %dma_wait3A_45 = arith.constant 0 : i32
      %dma_wait3A_46 = tpu.memref_slice %arg8[%arg0, %dma_wait3A, %dma_wait3A_45] : memref<2x10240x128xf32, #tpu.memory_space<hbm>> -> memref<1x10240x128xf32, #tpu.memory_space<hbm>>
      %dma_wait3A_47 = tpu.memref_squeeze %dma_wait3A_46 : memref<1x10240x128xf32, #tpu.memory_space<hbm>> -> memref<10240x128xf32, #tpu.memory_space<hbm>>
      %dma_wait3A_48 = arith.constant 0 : i32
      %dma_wait3A_49 = tpu.memref_slice %dma_wait3A_47[%mul3A_2, %dma_wait3A_48] : memref<10240x128xf32, #tpu.memory_space<hbm>> -> memref<640x128xf32, #tpu.memory_space<hbm>>
      %dma_wait3A_50 = arith.constant 0 : i32
      %dma_wait3A_51 = tpu.memref_slice %arg15[%mul3A_2, %dma_wait3A_50] : memref<10240x128xf32, #tpu.memory_space<vmem_shared>> -> memref<640x128xf32, #tpu.memory_space<vmem_shared>>
      tpu.wait_dma2 semaphore(%run_scoped3A : memref<!tpu.dma_semaphore, #tpu.memory_space<semaphore_mem>>) src(%dma_wait3A_51 : memref<640x128xf32, #tpu.memory_space<vmem_shared>>) dst(%dma_wait3A_49 : memref<640x128xf32, #tpu.memory_space<hbm>>)
      tpu.yield
    }) : () -> ()
    "tpu.trace_stop"() : () -> ()
    "tpu.region"() ({
      %run_scoped3A = tpu.sem_alloc : memref<!tpu.dma_semaphore, #tpu.memory_space<semaphore_mem>>
      %dma_start3A_37 = arith.constant 0 : i32
      %dma_start3A_38 = tpu.memref_slice %arg9[%add3A, %dma_start3A_37] : memref<32x10240xf32, #tpu.memory_space<hbm>> -> memref<1x10240xf32, #tpu.memory_space<hbm>>
      %dma_start3A_39 = tpu.memref_squeeze %dma_start3A_38 : memref<1x10240xf32, #tpu.memory_space<hbm>> -> memref<10240xf32, #tpu.memory_space<hbm>>
      %dma_start3A_40 = arith.constant 0 : i32
      %dma_start3A_41 = tpu.memref_slice %arg9[%add3A, %dma_start3A_40] : memref<32x10240xf32, #tpu.memory_space<hbm>> -> memref<1x10240xf32, #tpu.memory_space<hbm>>
      %dma_start3A_42 = tpu.memref_squeeze %dma_start3A_41 : memref<1x10240xf32, #tpu.memory_space<hbm>> -> memref<10240xf32, #tpu.memory_space<hbm>>
      tpu.enqueue_dma source(%arg14 : memref<10240xf32, #tpu.memory_space<vmem>>) target(%dma_start3A_42 : memref<10240xf32, #tpu.memory_space<hbm>>) target_semaphore(%run_scoped3A : memref<!tpu.dma_semaphore, #tpu.memory_space<semaphore_mem>>)
      %dma_wait3A = arith.constant 0 : i32
      %dma_wait3A_43 = tpu.memref_slice %arg9[%add3A, %dma_wait3A] : memref<32x10240xf32, #tpu.memory_space<hbm>> -> memref<1x10240xf32, #tpu.memory_space<hbm>>
      %dma_wait3A_44 = tpu.memref_squeeze %dma_wait3A_43 : memref<1x10240xf32, #tpu.memory_space<hbm>> -> memref<10240xf32, #tpu.memory_space<hbm>>
      %dma_wait3A_45 = arith.constant 0 : i32
      %dma_wait3A_46 = tpu.memref_slice %arg9[%add3A, %dma_wait3A_45] : memref<32x10240xf32, #tpu.memory_space<hbm>> -> memref<1x10240xf32, #tpu.memory_space<hbm>>
      %dma_wait3A_47 = tpu.memref_squeeze %dma_wait3A_46 : memref<1x10240xf32, #tpu.memory_space<hbm>> -> memref<10240xf32, #tpu.memory_space<hbm>>
      tpu.wait_dma2 semaphore(%run_scoped3A : memref<!tpu.dma_semaphore, #tpu.memory_space<semaphore_mem>>) src(%arg14 : memref<10240xf32, #tpu.memory_space<vmem>>) dst(%dma_wait3A_47 : memref<10240xf32, #tpu.memory_space<hbm>>)
      tpu.yield
    }) : () -> ()
    return
  }
}

module attributes {stable_mosaic.version = 14 : i64} {
  func.func @_matmul_body(%arg0: i32, %arg1: memref<1000x256xf32, #tpu.memory_space<vmem>>, %arg2: memref<256x256xf32, #tpu.memory_space<vmem>>, %arg3: memref<1000x128xf32, #tpu.memory_space<vmem>>, %arg4: memref<1000x128xf32, #tpu.memory_space<vmem>>) attributes {dimension_semantics = [#tpu.dimension_semantics<arbitrary>], iteration_bounds = array<i64: 10>, scalar_prefetch = 0 : i64, scratch_operands = 0 : i64, tpu.core_type = #tpu.core_type<tc>, window_params = [{transform_indices = @transform_0, window_bounds = array<i64: 1000, 256>}, {pipeline_mode = #tpu.pipeline_mode<synchronous>, transform_indices = @transform_1, window_bounds = array<i64: 256, 256>}, {transform_indices = @transform_2, window_bounds = array<i64: 1000, 128>}, {transform_indices = @transform_3, window_bounds = array<i64: 1000, 128>}]} {
    %get3A = arith.constant 0 : index
    %get3A_0 = arith.constant 0 : index
    %get3A_1 = vector.load %arg1[%get3A, %get3A_0] : memref<1000x256xf32, #tpu.memory_space<vmem>>, vector<1000x256xf32>
    %get3A_2 = arith.constant 0 : index
    %get3A_3 = arith.constant 0 : index
    %get3A_4 = vector.load %arg2[%get3A_2, %get3A_3] : memref<256x256xf32, #tpu.memory_space<vmem>>, vector<256x256xf32>
    %dot_general3A = arith.constant dense<0.000000e+00> : vector<1000x256xf32>
    %dot_general3A_5 = tpu.matmul %get3A_1, %get3A_4, %dot_general3A {dimension_numbers = #tpu.dot_dimension_numbers<[1], [0], [0], [1], [0, 0, 1, 1], [], []>, transpose_lhs_hint = false} : vector<1000x256xf32>, vector<256x256xf32>, vector<1000x256xf32> -> vector<1000x256xf32>
    %slice3A = vector.extract_strided_slice %dot_general3A_5 {offsets = [0, 0], sizes = [1000, 128], strides = [1, 1]} : vector<1000x256xf32> to vector<1000x128xf32>
    %swap3A = arith.constant 0 : index
    %swap3A_6 = arith.constant 0 : index
    %swap3A_7 = vector.load %arg3[%swap3A, %swap3A_6] : memref<1000x128xf32, #tpu.memory_space<vmem>>, vector<1000x128xf32>
    tpu.vector_store %arg3[%swap3A, %swap3A_6], %slice3A {strides = array<i32>} : memref<1000x128xf32, #tpu.memory_space<vmem>>, vector<1000x128xf32>,
    %slice3A_8 = vector.extract_strided_slice %dot_general3A_5 {offsets = [0, 128], sizes = [1000, 128], strides = [1, 1]} : vector<1000x256xf32> to vector<1000x128xf32>
    %swap3A_9 = arith.constant 0 : index
    %swap3A_10 = arith.constant 0 : index
    %swap3A_11 = vector.load %arg4[%swap3A_9, %swap3A_10] : memref<1000x128xf32, #tpu.memory_space<vmem>>, vector<1000x128xf32>
    tpu.vector_store %arg4[%swap3A_9, %swap3A_10], %slice3A_8 {strides = array<i32>} : memref<1000x128xf32, #tpu.memory_space<vmem>>, vector<1000x128xf32>,
    return
  }
  func.func @transform_0(%arg0: i32) -> (i32, i32) {
    %c0_i32 = arith.constant 0 : i32
    %c0_i32_0 = arith.constant 0 : i32
    return %arg0, %c0_i32 : i32, i32
  }
  func.func @transform_1(%arg0: i32) -> (i32, i32) {
    %c0_i32 = arith.constant 0 : i32
    %c0_i32_0 = arith.constant 0 : i32
    %c0_i32_1 = arith.constant 0 : i32
    return %c0_i32, %c0_i32_0 : i32, i32
  }
  func.func @transform_2(%arg0: i32) -> (i32, i32) {
    %c0_i32 = arith.constant 0 : i32
    %c0_i32_0 = arith.constant 0 : i32
    return %arg0, %c0_i32 : i32, i32
  }
  func.func @transform_3(%arg0: i32) -> (i32, i32) {
    %c0_i32 = arith.constant 0 : i32
    %c0_i32_0 = arith.constant 0 : i32
    return %arg0, %c0_i32 : i32, i32
  }
}

module attributes {stable_mosaic.version = 14 : i64} {
  func.func @_matmul0_body(%arg0: i32, %arg1: memref<1000x256xf32, #tpu.memory_space<vmem>>, %arg2: memref<256x256xf32, #tpu.memory_space<vmem>>, %arg3: memref<1000x256xf32, #tpu.memory_space<vmem>>) attributes {dimension_semantics = [#tpu.dimension_semantics<arbitrary>], iteration_bounds = array<i64: 10>, scalar_prefetch = 0 : i64, scratch_operands = 0 : i64, tpu.core_type = #tpu.core_type<tc>, window_params = [{transform_indices = @transform_0, window_bounds = array<i64: 1000, 256>}, {pipeline_mode = #tpu.pipeline_mode<synchronous>, transform_indices = @transform_1, window_bounds = array<i64: 256, 256>}, {transform_indices = @transform_2, window_bounds = array<i64: 1000, 256>}]} {
    %get3A = arith.constant 0 : index
    %get3A_0 = arith.constant 0 : index
    %get3A_1 = vector.load %arg1[%get3A, %get3A_0] : memref<1000x256xf32, #tpu.memory_space<vmem>>, vector<1000x256xf32>
    %get3A_2 = arith.constant 0 : index
    %get3A_3 = arith.constant 0 : index
    %get3A_4 = vector.load %arg2[%get3A_2, %get3A_3] : memref<256x256xf32, #tpu.memory_space<vmem>>, vector<256x256xf32>
    %dot_general3A = arith.constant dense<0.000000e+00> : vector<1000x256xf32>
    %dot_general3A_5 = tpu.matmul %get3A_1, %get3A_4, %dot_general3A {dimension_numbers = #tpu.dot_dimension_numbers<[1], [0], [0], [1], [0, 0, 1, 1], [], []>, transpose_lhs_hint = false} : vector<1000x256xf32>, vector<256x256xf32>, vector<1000x256xf32> -> vector<1000x256xf32>
    %swap3A = arith.constant 0 : index
    %swap3A_6 = arith.constant 0 : index
    %swap3A_7 = vector.load %arg3[%swap3A, %swap3A_6] : memref<1000x256xf32, #tpu.memory_space<vmem>>, vector<1000x256xf32>
    tpu.vector_store %arg3[%swap3A, %swap3A_6], %dot_general3A_5 {strides = array<i32>} : memref<1000x256xf32, #tpu.memory_space<vmem>>, vector<1000x256xf32>,
    return
  }
  func.func @transform_0(%arg0: i32) -> (i32, i32) {
    %c0_i32 = arith.constant 0 : i32
    %c0_i32_0 = arith.constant 0 : i32
    return %arg0, %c0_i32 : i32, i32
  }
  func.func @transform_1(%arg0: i32) -> (i32, i32) {
    %c0_i32 = arith.constant 0 : i32
    %c0_i32_0 = arith.constant 0 : i32
    %c0_i32_1 = arith.constant 0 : i32
    return %c0_i32, %c0_i32_0 : i32, i32
  }
  func.func @transform_2(%arg0: i32) -> (i32, i32) {
    %c0_i32 = arith.constant 0 : i32
    %c0_i32_0 = arith.constant 0 : i32
    return %arg0, %c0_i32 : i32, i32
  }
}

module attributes {stable_mosaic.version = 14 : i64} {
  func.func @_combine_body(%arg0: i32, %arg1: memref<1024x256xf32, #tpu.memory_space<vmem>>, %arg2: memref<2x1024x128xf32, #tpu.memory_space<vmem>>, %arg3: memref<2x1024x128xf32, #tpu.memory_space<vmem>>, %arg4: memref<32x1024xf32, #tpu.memory_space<vmem>>, %arg5: memref<1024x256xf32, #tpu.memory_space<vmem>>) attributes {dimension_semantics = [#tpu.dimension_semantics<arbitrary>], iteration_bounds = array<i64: 10>, scalar_prefetch = 0 : i64, scratch_operands = 0 : i64, tpu.core_type = #tpu.core_type<tc>, window_params = [{transform_indices = @transform_0, window_bounds = array<i64: 1024, 256>}, {transform_indices = @transform_1, window_bounds = array<i64: 2, 1024, 128>}, {transform_indices = @transform_2, window_bounds = array<i64: 2, 1024, 128>}, {transform_indices = @transform_3, window_bounds = array<i64: 32, 1024>}, {transform_indices = @transform_4, window_bounds = array<i64: 1024, 256>}]} {
    %get3A = arith.constant 0 : index
    %get3A_0 = arith.constant 0 : index
    %get3A_1 = arith.constant 0 : index
    %get3A_2 = vector.load %arg2[%get3A, %get3A_0, %get3A_1] : memref<2x1024x128xf32, #tpu.memory_space<vmem>>, vector<1x1024x128xf32>
    %get3A_3 = vector.shape_cast %get3A_2 : vector<1x1024x128xf32> to vector<1024x128xf32>
    %get3A_4 = arith.constant 1 : index
    %get3A_5 = arith.constant 0 : index
    %get3A_6 = arith.constant 0 : index
    %get3A_7 = vector.load %arg2[%get3A_4, %get3A_5, %get3A_6] : memref<2x1024x128xf32, #tpu.memory_space<vmem>>, vector<1x1024x128xf32>
    %get3A_8 = vector.shape_cast %get3A_7 : vector<1x1024x128xf32> to vector<1024x128xf32>
    %add3A = arith.addf %get3A_3, %get3A_8 : vector<1024x128xf32>
    %get3A_9 = arith.constant 0 : index
    %get3A_10 = arith.constant 0 : index
    %get3A_11 = arith.constant 0 : index
    %get3A_12 = vector.load %arg3[%get3A_9, %get3A_10, %get3A_11] : memref<2x1024x128xf32, #tpu.memory_space<vmem>>, vector<1x1024x128xf32>
    %get3A_13 = vector.shape_cast %get3A_12 : vector<1x1024x128xf32> to vector<1024x128xf32>
    %get3A_14 = arith.constant 1 : index
    %get3A_15 = arith.constant 0 : index
    %get3A_16 = arith.constant 0 : index
    %get3A_17 = vector.load %arg3[%get3A_14, %get3A_15, %get3A_16] : memref<2x1024x128xf32, #tpu.memory_space<vmem>>, vector<1x1024x128xf32>
    %get3A_18 = vector.shape_cast %get3A_17 : vector<1x1024x128xf32> to vector<1024x128xf32>
    %add3A_19 = arith.addf %get3A_13, %get3A_18 : vector<1024x128xf32>
    %get3A_20 = arith.constant 0 : index
    %get3A_21 = arith.constant 0 : index
    %get3A_22 = vector.load %arg4[%get3A_20, %get3A_21] : memref<32x1024xf32, #tpu.memory_space<vmem>>, vector<32x1024xf32>
    %reduce_sum3A = arith.constant dense<0.000000e+00> : vector<1024xf32>
    %reduce_sum3A_23 = vector.multi_reduction <add>, %get3A_22, %reduce_sum3A [0] : vector<32x1024xf32> to vector<1024xf32>
    %broadcast_in_dim3A = vector.shape_cast %reduce_sum3A_23 : vector<1024xf32> to vector<1024x1xf32>
    %max3A = arith.constant 1.000000e+00 : f32
    %max3A_24 = vector.broadcast %max3A : f32 to vector<1024x1xf32>
    %max3A_25 = arith.maximumf %broadcast_in_dim3A, %max3A_24 : vector<1024x1xf32>
    %div3A = arith.constant 1.000000e+00 : f32
    %div3A_26 = vector.broadcast %div3A : f32 to vector<1024x1xf32>
    %div3A_27 = arith.divf %div3A_26, %max3A_25 : vector<1024x1xf32>
    %get3A_28 = arith.constant 0 : index
    %get3A_29 = arith.constant 0 : index
    %get3A_30 = vector.load %arg1[%get3A_28, %get3A_29] : memref<1024x256xf32, #tpu.memory_space<vmem>>, vector<1024x256xf32>
    %concatenate3A = tpu.concatenate %add3A, %add3A_19 in 1 : vector<1024x128xf32>, vector<1024x128xf32> -> vector<1024x256xf32>
    %add3A_31 = arith.addf %get3A_30, %concatenate3A : vector<1024x256xf32>
    %mul3A = vector.broadcast %div3A_27 : vector<1024x1xf32> to vector<1024x256xf32>
    %mul3A_32 = arith.mulf %add3A_31, %mul3A : vector<1024x256xf32>
    %swap3A = arith.constant 0 : index
    %swap3A_33 = arith.constant 0 : index
    %swap3A_34 = vector.load %arg5[%swap3A, %swap3A_33] : memref<1024x256xf32, #tpu.memory_space<vmem>>, vector<1024x256xf32>
    tpu.vector_store %arg5[%swap3A, %swap3A_33], %mul3A_32 {strides = array<i32>} : memref<1024x256xf32, #tpu.memory_space<vmem>>, vector<1024x256xf32>,
    return
  }
  func.func @transform_0(%arg0: i32) -> (i32, i32) {
    %c0_i32 = arith.constant 0 : i32
    %c0_i32_0 = arith.constant 0 : i32
    return %arg0, %c0_i32 : i32, i32
  }
  func.func @transform_1(%arg0: i32) -> (i32, i32, i32) {
    %c0_i32 = arith.constant 0 : i32
    %c0_i32_0 = arith.constant 0 : i32
    %c0_i32_1 = arith.constant 0 : i32
    return %c0_i32, %arg0, %c0_i32_0 : i32, i32, i32
  }
  func.func @transform_2(%arg0: i32) -> (i32, i32, i32) {
    %c0_i32 = arith.constant 0 : i32
    %c0_i32_0 = arith.constant 0 : i32
    %c0_i32_1 = arith.constant 0 : i32
    return %c0_i32, %arg0, %c0_i32_0 : i32, i32, i32
  }
  func.func @transform_3(%arg0: i32) -> (i32, i32) {
    %c0_i32 = arith.constant 0 : i32
    %c0_i32_0 = arith.constant 0 : i32
    return %c0_i32, %arg0 : i32, i32
  }
  func.func @transform_4(%arg0: i32) -> (i32, i32) {
    %c0_i32 = arith.constant 0 : i32
    %c0_i32_0 = arith.constant 0 : i32
    return %arg0, %c0_i32 : i32, i32
  }
}

</mosaic_0001>

<sc_bundles>
// kernel: kernel.6.cloned.1.call-start
scs
__scs_entry_jumppad:
0x0: {  	(pc) =	sbr.rel $0x88, $3  }
0x1: {  	(tag) =	ssettag $0x0;
	lr =	simm.s32 $0x1  }
0x2: {  	[smem:$0x3F9D] =	sst lr;
	_ =	strace $0xD0000000  }
0x3: {  	_ = 	snop  }
0x4: {  	_ = 	snop  }
0x5: {  	_ = 	snop  }
0x6: {  	_ = 	snop  }
0x7: {  	_ = 	snop  }
__scs_overlays_trampoline_lowered:
0x8: {  	[smem:$0x3FAC] =	sst s0  }
0x9: {  	[smem:$0x3FAD] =	sst s1  }
0xa: {  	[smem:$0x3FAE] =	sst s2  }
0xb: {  	[smem:$0x3FAF] =	sst s3  }
0xc: {  	[smem:$0x3FB0] =	sst s4  }
0xd: {  	[smem:$0x3FB1] =	sst s5  }
0xe: {  	[smem:$0x3FB2] =	sst s6  }
0xf: {  	[smem:$0x3FB3] =	sst s7  }
0x10: {  	[smem:$0x3FB4] =	sst s8  }
0x11: {  	[smem:$0x3FB5] =	sst s9;
	s0 =	simm.s32 @!p0 $0x0  }
0x12: {  	s1 =	sld [smem:$0x3F9B];
	s0 =	simm.s32 @p0 $0x1  }
0x13: {  	[smem:$0x3FB6] =	sst s0;
	s0 =	simm.s32 @!p1 $0x0  }
0x14: {  	s2 =	sld [smem:$0x3F9A];
	s0 =	simm.s32 @p1 $0x1  }
0x15: {  	[smem:$0x3FB7] =	sst s0;
	s0 =	simm.s32 @!p2 $0x0  }
0x16: {  	s3 =	sld [smem:$0x3FDB];
	s0 =	simm.s32 @p2 $0x1  }
0x17: {  	s4 =	simm.s32 $0x1BF5;
	[smem:$0x3FB9] =	sst s0  }
0x18: {  	s0 =	sld [smem:$0x3F9C];
	_ =	swait.ge [sflag:s4], $0x0  }
0x19: {  	s7 =	sld [smem:$0x3F9D]  }
0x1a: {  	s8 =	sadd.s32 $0xFFFFE003, lr  }
0x1b: {  	s9 =	sadd.s32 $0xFFFFFEF7, lr;
	s5 =	simm.s32 $0xFFFFFFFF;
	p2 =	slt.u32 s8, $0xFFFFF086  }
0x1c: {  	p1 =	slt.u32 s9, $0xF7A;
	s5 =	simm.s32 @!p2 $0x0  }
0x1d: {  	s5 =	simm.s32 @p1 $0x1;
	p0 =	seq.s32 s7, s2  }
0x1e: {  	s7 =	smul.u32 @!p0 $0xF7A, s2;
	p2 =	seq.s32 @!p0 s5, $0x0  }
0x1f: {  	s9 =	smul.u32 $0xF7A, s1;
	s8 =	simm.s32 @!p0 $0x1BF5;
	p2 =	por !p2, p0  }
0x20: {  	[sflag:s8] =	ssyncset.s32 @!p0 $0xFFFFF086;
	s6 =	sadd.s32 @!p0 s3, s7;
	s7 =	simm.s32 @!p0 $0x108  }
0x21: {  	s3 =	sadd.s32 s3, s9;
	s6 =	sadd.s32 @!p0 $0x88, s6;
	s7 =	simm.s32 @p2 $0x1082  }
0x22: {  	[simem:s7], [sflag:s8] =	dma.local @!p0 [hbm:s6], $0xF7A  }
0x23: {  	s9 =	sor.u32 $0xD0000000, s2;
	s6 =	simm.s32 $0x108;
	_ =	swait.ge @!p0 [sflag:s8], $0x0  }
0x24: {  	s3 =	sadd.s32 $0x88, s3;
	s6 =	simm.s32 @!p1 $0x1082;
	[sflag:s4] =	ssyncset.s32 $0xFFFFF086  }
0x25: {  	[simem:s6], [sflag:s4] =	dma.local [hbm:s3], $0xF7A  }
0x26: {  	[smem:$0x3F9D] =	sst s1;
	(tag) =	ssettag s2;
	_ =	strace s9  }
0x27: {  	s1 =	sld [smem:$0x3FAD]  }
0x28: {  	s2 =	sld [smem:$0x3FAE]  }
0x29: {  	s4 =	sld [smem:$0x3FB0]  }
0x2a: {  	p0 =	seq.s32 s5, $0x0;
	s5 =	sld [smem:$0x3FB1]  }
0x2b: {  	s6 =	sld [smem:$0x3FB2]  }
0x2c: {  	s7 =	sld [smem:$0x3FB3]  }
0x2d: {  	s3 =	simm.s32 $0x108;
	s8 =	sld [smem:$0x3FB4]  }
0x2e: {  	s3 =	simm.s32 @!p0 $0x1082;
	s9 =	sld [smem:$0x3FB5]  }
0x2f: {  	lr =	sadd.s32 s0, s3;
	s0 =	sld [smem:$0x3FAC]  }
0x30: {  	s3 =	sld [smem:$0x3FAF]  }
0x31: {  	[smem:$0x3FB8] =	sst s10  }
0x32: {  	s10 =	sld [smem:$0x3FB6];
	_ =	sdelay $0x3  }
0x33: {  	p0 =	seq.s32 s10, $0x1;
	s10 =	sld [smem:$0x3FB8];
	_ =	sdelay $0x3  }
0x34: {  	[smem:$0x3FB8] =	sst s10  }
0x35: {  	s10 =	sld [smem:$0x3FB7];
	_ =	sdelay $0x3  }
0x36: {  	p1 =	seq.s32 s10, $0x1;
	s10 =	sld [smem:$0x3FB8];
	_ =	sdelay $0x3  }
0x37: {  	[smem:$0x3FB8] =	sst s10  }
0x38: {  	s10 =	sld [smem:$0x3FB9]  }
0x39: {  	_ = 	snop;
	(pc) =	sbr.ind lr, $3  }
0x3a: {  	_ = 	snop  }
0x3b: {  	_ = 	snop  }
0x3c: {  	p2 =	seq.s32 s10, $0x1;
	s10 =	sld [smem:$0x3FB8]  }
0x3d: {  	_ =	shalt  }
0x3e: {  	_ =	shalt  }
0x3f: {  	_ =	shalt  }
0x40: {  	_ =	shalt  }
0x41: {  	_ =	shalt  }
0x42: {  	_ =	shalt  }
0x43: {  	_ =	shalt  }
0x44: {  	_ =	shalt  }
0x45: {  	_ =	shalt  }
0x46: {  	_ =	shalt  }
0x47: {  	_ =	shalt  }
0x48: {  	_ =	shalt  }
0x49: {  	_ =	shalt  }
0x4a: {  	_ =	shalt  }
0x4b: {  	_ =	shalt  }
0x4c: {  	_ =	shalt  }
0x4d: {  	_ =	shalt  }
0x4e: {  	_ =	shalt  }
0x4f: {  	_ =	shalt  }
0x50: {  	_ =	shalt  }
0x51: {  	_ =	shalt  }
0x52: {  	_ =	shalt  }
0x53: {  	_ =	shalt  }
0x54: {  	_ =	shalt  }
0x55: {  	_ =	shalt  }
0x56: {  	_ =	shalt  }
0x57: {  	_ =	shalt  }
0x58: {  	_ =	shalt  }
0x59: {  	_ =	shalt  }
0x5a: {  	_ =	shalt  }
0x5b: {  	_ =	shalt  }
0x5c: {  	_ =	shalt  }
0x5d: {  	_ =	shalt  }
0x5e: {  	_ =	shalt  }
0x5f: {  	_ =	shalt  }
0x60: {  	_ =	shalt  }
0x61: {  	_ =	shalt  }
0x62: {  	_ =	shalt  }
0x63: {  	_ =	shalt  }
0x64: {  	_ =	shalt  }
0x65: {  	_ =	shalt  }
0x66: {  	_ =	shalt  }
0x67: {  	_ =	shalt  }
0x68: {  	_ =	shalt  }
0x69: {  	_ =	shalt  }
0x6a: {  	_ =	shalt  }
0x6b: {  	_ =	shalt  }
0x6c: {  	_ =	shalt  }
0x6d: {  	_ =	shalt  }
0x6e: {  	_ =	shalt  }
0x6f: {  	_ =	shalt  }
0x70: {  	_ =	shalt  }
0x71: {  	_ =	shalt  }
0x72: {  	_ =	shalt  }
0x73: {  	_ =	shalt  }
0x74: {  	_ =	shalt  }
0x75: {  	_ =	shalt  }
0x76: {  	_ =	shalt  }
0x77: {  	_ =	shalt  }
0x78: {  	_ =	shalt  }
0x79: {  	_ =	shalt  }
0x7a: {  	_ =	shalt  }
0x7b: {  	_ =	shalt  }
0x7c: {  	_ =	shalt  }
0x7d: {  	_ =	shalt  }
0x7e: {  	_ =	shalt  }
0x7f: {  	_ =	shalt  }
0x80: {  	_ =	shalt  }
0x81: {  	_ =	shalt  }
0x82: {  	_ =	shalt  }
0x83: {  	_ =	shalt  }
0x84: {  	_ =	shalt  }
0x85: {  	_ =	shalt  }
0x86: {  	_ =	shalt  }
0x87: {  	_ =	shalt  }
.Lfunc_end0:
.L_simem_size_0:
called_computation_lowered:
.L_overlay_start_0:
0x88: {  	s2 =	sld [smem:$0x3FD9]  }
0x89: {  	s3 =	sld [smem:$0x3FFE];
	_ =	sdelay $0x1  }
0x8a: {  	s1 =	srdreg.scid  }
0x8b: {  	s0 =	sand.u32 $0x1, s1  }
0x8c: {  	s17 =	sshll.u32 s0, $0xA;
	s2 =	sadd.s32 s3, s2  }
0x8d: {  	s2 =	sadd.s32 s2, s17  }
0x8e: {  	[smem:$0x3FC4] =	sst s2  }
0x8f: {  	_ = 	snop  }
0x90: {  	s2 =	sld [smem:$0x3FD0];
	(tm) =	ssettm $0x1  }
0x91: {  	s18 =	sld [smem:$0x3FFB];
	_ =	sdelay $0x3  }
0x92: {  	_ =	strace s18  }
0x93: {  	s3 =	sld [smem:$0x3FFC];
	_ =	sdelay $0x3  }
0x94: {  	_ =	strace s3  }
0x95: {  	s3 =	sld [smem:$0x3FFD];
	_ =	sdelay $0x3  }
0x96: {  	_ =	strace s3  }
0x97: {  	_ =	strace $0x8FFFFFFF  }
0x98: {  	s19 =	sld [smem:$0x3FDB];
	_ =	sdelay $0x1  }
0x99: {  	s4 =	simm.s32 $_scs_section_size  }
0x9a: {  	s5 =	simm.s32 $_size__tile_overlayer_lowered;
	s6 =	simm.s32 $_tile_overlayer_lowered  }
0x9b: {  	s22 =	simm.s32 $0x1BFF;
	s21 =	sshll.u32 s6, $0x1;
	s3 =	sadd.s32 s4, s19  }
0x9c: {  	s7 =	simm.s32 $0x0;
	s20 =	sshll.u32 s5, $0x1;
	s5 =	sadd.s32 s21, s3  }
0x9d: {  	[timem:s7], [sflag:s22] =	dma.local [hbm:s5], s20  }
0x9e: {  	_ =	swait.ge [sflag:s22], s20  }
0x9f: {  	s4 =	ssub.s32 $0x0, s20;
	[sflag:s22] =	ssyncset.done $0x0  }
0xa0: {  	[sflag:s22] =	ssyncadd.s32 s4;
	_ =	sdelay $0x1  }
0xa1: {  	s23 =	simm.s32 $0x1B8B  }
0xa2: {  	_ =	swait.ge [sflag:s23], $0x1  }
0xa3: {  	[sflag:s23] =	ssyncset.done $0x0  }
0xa4: {  	s25 =	simm.s32 $0x1B8E;
	s24 =	sld [smem:$0x3FFE];
	[sflag:s23] =	ssyncadd.s32 $0xFFFFFFFF  }
0xa5: {  	s26 =	simm.s32 $execute0_lowered;
	[smem:$0x3FD2] =	sst s25  }
0xa6: {  	s5 =	sshll.u32 s26, $0x1;
	_ =	strace $0x80000046;
	[dreg:$0x1] =	wrdreg $0xFFFFFFFF  }
0xa7: {  	s28 =	simm.s32 $_size_execute0_lowered;
	s3 =	sadd.s32 s3, s5;
	[dreg:$0x0] =	wrdreg $0x0  }
0xa8: {  	s5 =	sshll.u32 s28, $0x1;
	[dreg:$0x2] =	wrdreg s3  }
0xa9: {  	[dreg:$0x3] =	wrdreg s5  }
0xaa: {  	[dreg:$0x4] =	wrdreg $0xC0  }
0xab: {  	_ =	task [dreg:s7], $0x5FFFF  }
0xac: {  	[dreg:$0x1] =	wrdreg $0xFFFFFFFF  }
0xad: {  	[dreg:$0x0] =	wrdreg $0x60  }
0xae: {  	[dreg:$0x2] =	wrdreg s24  }
0xaf: {  	[dreg:$0x3] =	wrdreg s2  }
0xb0: {  	[dreg:$0x4] =	wrdreg $0xC0000  }
0xb1: {  	[dreg:$0x5] =	wrdreg $0x9  }
0xb2: {  	_ =	task.clear_ibuf [dreg:s7], $0x6FFFF;
	_ =	strace $0x90000046  }
0xb3: {  	s29 =	simm.s32 $0x9;
	_ =	strace $0x8000004E  }
0xb4: {  	_ =	swait.ge [sflag:s29], $0x1  }
0xb5: {  	[sflag:s29] =	ssyncadd.s32 $0xFFFFFFFF  }
0xb6: {  	_ =	strace $0x9000004E  }
0xb7: {  	_ =	sfence  }
0xb8: {  	s30 =	sld [smem:$0x0];
	_ =	sdelay $0x2  }
0xb9: {  	s31 =	sshll.u32 s1, $0xD;
	s1 =	sshrl.u32 s1, $0x2  }
0xba: {  	s3 =	sand.u32 $0x4000, s31;
	s1 =	sadd.s32 s1, s30  }
0xbb: {  	s0 =	sor.u32 s3, s0;
	s1 =	sshll.u32 s1, $0x11  }
0xbc: {  	s0 =	sor.u32 s1, s0  }
0xbd: {  	s0 =	sadd.s32 $0x8F2B, s0  }
0xbe: {  	[sflag:s0] =	ssyncadd.remote.s32 $0x1  }
0xbf: {  	_ =	sfence.sel $0xFFFF  }
0xc0: {  	[dreg:$0x0] =	wrdreg $0xFFFFFFFF;
	(pc) =	sbr.abs _section_cstart, $3  }
0xc1: {  	[dreg:$0x1] =	wrdreg $0xFFFFFFFF  }
0xc2: {  	_ =	task.clear_ibuf [dreg:s7], $0x2FFFF;
	_ =	strace $0x9FFFFFFF  }
0xc3: {  	(tm) =	ssettm $0x7FFFFFFF  }
tec
execute0_lowered:
.L_overlay_start_1:
0x0: {  	(tag) =	ssettag $0x1  }
0x1: {  	s6 =	rddreg [dreg:$0x0]  }
0x2: {  	s0 =	srdreg.scid;
	s8 =	rddreg [dreg:$0x1]  }
0x3: {  	s2 =	rddreg [dreg:$0x2];
	s1 =	stileid.u32;
	s3 =	simm.s32 $0x0  }
0x4: {  	s14 =	simm.s32 $0x3800;
	s17 =	simm.s32 $0x1;
	s18 =	simm.s32 $0x6800  }
0x5: {  	s19 =	simm.s32 $0x9800;
	s20 =	simm.s32 $0x2;
	s21 =	simm.s32 $0x1A80  }
0x6: {  	s22 =	simm.s32 $0x3600;
	s26 =	simm.s32 $0x80;
	s28 =	simm.s32 $0x400  }
0x7: {  	s29 =	simm.s32 $0x0;
	s7 =	sand.u32 $0x1, s0;
	[smem:$0x7FF] =	sst s3  }
0x8: {  	s11 =	sshll.u32 s1, $0x7;
	s5 =	sadd.s32 $0xFE00, s6;
	s30 =	smul.u32 $0x50000, s1  }
0x9: {  	s24 =	smul.u32 $0x2800, s1;
	s15 =	sshll.u32 s1, $0x6;
	s4 =	sshll.u32 s7, $0x4  }
0xa: {  	_ =	strace $0x80000047;
	s11 =	sand.u32 $0x380, s11;
	s12 =	smul.u32 $0x28000, s7  }
0xb: {  	s7 =	ssub.s32 $0x2, s7;
	s15 =	sor.u32 $0x1C03, s15;
	s4 =	sor.u32 s1, s4  }
0xc: {  	s31 =	sshrl.u32 s7, $0x1;
	s8 =	sadd.s32 s8, s24;
	s9 =	smul.u32 $0x380, s4  }
0xd: {  	s4 =	sshrl.u32 s4, $0x3;
	s12 =	sadd.s32 s12, s6;
	s13 =	ssub.s32 s7, s31  }
0xe: {  	s10 =	smul.u32 $0x14000, s4;
	s4 =	sadd.s32 $0x37000, s6;
	s23 =	sadd.s32 $0x5E200, s12  }
0xf: {  	s25 =	sadd.s32 $0xB8200, s12;
	s12 =	simm.s32 $0x1C00;
	s9 =	sadd.s32 s9, s6  }
0x10: {  	s23 =	sadd.s32 s24, s23;
	s24 =	sadd.s32 s24, s25;
	s25 =	simm.s32 $0x3680  }
0x11: {  	s10 =	sor.u32 s11, s10;
	s11 =	sshrl.u32 s30, $0x2;
	s7 =	sadd.s32 $0x8E00, s9  }
0x12: {  	s10 =	sshrl.u32 s10, $0x3;
	s16 =	sadd.s32 s11, s2;
	s11 =	simm.s32 $0x3  }
0x13: {  	s10 =	sadd.s32 s10, s6;
	s6 =	sadd.s32 $0x1E00, s9;
	s16 =	sshrl.u32 s16, $0x3  }
0x14: {  	v0 =	vimm.f32 $0.0e+00;
	v1 =	vimm.f32 $1.000000000e+00;
	s9 =	sadd.s32 $0xAE200, s10;
	s10 =	smax.u32 s13, $0x1;
	s13 =	simm.s32 $0x60  }
.LBB2_1:
0x15: {  	_ =	strace $0x80000048  }
0x16: {  	[tilespmem:s3], [sflag:$0x3] =	stream.linear.gather [hbm4b:s6+s3], $0x1B00, $0x200038;
	v63 =	vld [tilespmem:$0x0]  }
0x17: {  	_ =	swait.ge [sflag:s11], $0x1B00  }
0x18: {  	[sflag:s11] =	ssyncset.done $0x0  }
0x19: {  	[sflag:s11] =	ssyncadd.s32 $0xFFFFE500  }
0x1a: {  	[tilespmem:s12], [sflag:$0x3] =	stream.linear.gather [hbm4b:s7+s3], $0x1B00, $0x200038;
	v63 =	vld [tilespmem:$0x0]  }
0x1b: {  	_ =	swait.ge [sflag:s11], $0x1B00  }
0x1c: {  	[sflag:s11] =	ssyncset.done $0x0  }
0x1d: {  	s30 =	simm.s32 $0x40;
	s31 =	simm.s32 $0x0;
	[sflag:s11] =	ssyncadd.s32 $0xFFFFE500  }
.LBB2_2:
0x1e: {  	p0 =	sne.s32 s30, $0x9FC0;
	[tilespmem:s31+$0x9800] =	vst v0;
	s31 =	smov.u32 s30;
	s30 =	sadd.s32 $0x40, s30  }
.Ltmp0:
0x1f: {  	(pc) =	sbr.rel @p0 .LBB2_2-.Ltmp0, $2  }
0x20: {  	_ =	sdelay $0x2  }
0x21: {  	s31 =	sshra.s32 s31, $0x2  }
0x22: {  	[tilespmem:s31+$0x9800] =	vst v0  }
0x23: {  	_ =	strace $0x90000048  }
0x24: {  	s30 =	simm.s32 $0x0;
	_ =	strace $0x80000049  }
0x25: {  	[tilespmem:s14], [sflag:$0x1] =	stream.indirect.gather [hbm4b:s4+s13], $0x80, s30, s13, $0x2000b8;
	v63 =	vld [tilespmem:$0x0]  }
0x26: {  	[spmem:s16], [sflag:s15] =	dma.local [hbm:s8], $0x2800  }
0x27: {  	_ =	swait.ge [sflag:s11], $0x2800  }
0x28: {  	[sflag:s11] =	ssyncset.done $0x0  }
0x29: {  	[sflag:s11] =	ssyncadd.s32 $0xFFFFD800  }
0x2a: {  	[bflag:$0x0] =	sbarrier.arrive $0xFFFF  }
0x2b: {  	_ =	strace $0x90000049  }
0x2c: {  	_ =	strace $0x8000004A  }
.LBB2_4:
0x2d: {  	_ =	swait.ge [sflag:s17], $0x3000  }
0x2e: {  	s31 =	sshra.s32 s30, $0x2;
	[sflag:s17] =	ssyncset.done $0x0  }
0x2f: {  	s0 =	sadd.s32 $0x80, s31;
	[sflag:s17] =	ssyncadd.s32 $0xFFFFD000  }
0x30: {  	[tilespmem:s18], [sflag:$0x2] =	stream.indirect.gather [hbm4b:s4+s13], $0x80, s0, s13, $0x2000b8;
	v63 =	vld [tilespmem:$0x0]  }
0x31: {  	v2 =	vld [tilespmem:s31+$0x1C00];
	_ =	sdelay $0x7  }
0x32: {  	[tilespmem:v2+s19+$0x0] =	vst.idx.add.f32.msk $0xffff, v1  }
0x33: {  	v2 =	vld [tilespmem:s31+$0x1C10];
	_ =	sdelay $0x7  }
0x34: {  	[tilespmem:v2+s19+$0x0] =	vst.idx.add.f32.msk $0xffff, v1  }
0x35: {  	v2 =	vld [tilespmem:s31+$0x1C20];
	_ =	sdelay $0x7  }
0x36: {  	[tilespmem:v2+s19+$0x0] =	vst.idx.add.f32.msk $0xffff, v1  }
0x37: {  	v2 =	vld [tilespmem:s31+$0x1C30];
	_ =	sdelay $0x7  }
0x38: {  	[tilespmem:v2+s19+$0x0] =	vst.idx.add.f32.msk $0xffff, v1  }
0x39: {  	v2 =	vld [tilespmem:s31+$0x1C40];
	_ =	sdelay $0x7  }
0x3a: {  	[tilespmem:v2+s19+$0x0] =	vst.idx.add.f32.msk $0xffff, v1  }
0x3b: {  	v2 =	vld [tilespmem:s31+$0x1C50];
	_ =	sdelay $0x7  }
0x3c: {  	s0 =	sadd.s32 $0x1C00, s31;
	[tilespmem:v2+s19+$0x0] =	vst.idx.add.f32.msk $0xffff, v1  }
0x3d: {  	[spmem:s2] =	stream.indirect.scatter.add.f32 [tilespmem:s14], [sflag:$0x3], $0x80, s0, s13, $0x2000b8;
	v63 =	vld [tilespmem:$0x0]  }
0x3e: {  	_ =	swait.ge [sflag:s11], $0x3000  }
0x3f: {  	[sflag:s11] =	ssyncset.done $0x0  }
0x40: {  	[sflag:s11] =	ssyncadd.s32 $0xFFFFD000  }
0x41: {  	_ =	swait.ge [sflag:s20], $0x3000  }
0x42: {  	[sflag:s20] =	ssyncset.done $0x0  }
0x43: {  	s0 =	sadd.s32 $0x100, s31;
	[sflag:s20] =	ssyncadd.s32 $0xFFFFD000  }
0x44: {  	[tilespmem:s14], [sflag:$0x1] =	stream.indirect.gather [hbm4b:s4+s13], $0x80, s0, s13, $0x2000b8;
	v63 =	vld [tilespmem:$0x0]  }
0x45: {  	v2 =	vld [tilespmem:s31+$0x1C80];
	_ =	sdelay $0x7  }
0x46: {  	[tilespmem:v2+s19+$0x0] =	vst.idx.add.f32.msk $0xffff, v1  }
0x47: {  	v2 =	vld [tilespmem:s31+$0x1C90];
	_ =	sdelay $0x7  }
0x48: {  	[tilespmem:v2+s19+$0x0] =	vst.idx.add.f32.msk $0xffff, v1  }
0x49: {  	v2 =	vld [tilespmem:s31+$0x1CA0];
	_ =	sdelay $0x7  }
0x4a: {  	[tilespmem:v2+s19+$0x0] =	vst.idx.add.f32.msk $0xffff, v1  }
0x4b: {  	v2 =	vld [tilespmem:s31+$0x1CB0];
	_ =	sdelay $0x7  }
0x4c: {  	[tilespmem:v2+s19+$0x0] =	vst.idx.add.f32.msk $0xffff, v1  }
0x4d: {  	v2 =	vld [tilespmem:s31+$0x1CC0];
	_ =	sdelay $0x7  }
0x4e: {  	[tilespmem:v2+s19+$0x0] =	vst.idx.add.f32.msk $0xffff, v1  }
0x4f: {  	v2 =	vld [tilespmem:s31+$0x1CD0];
	_ =	sdelay $0x6  }
0x50: {  	p0 =	sne.s32 s30, $0x6400  }
.Ltmp1:
0x51: {  	s31 =	sadd.s32 $0x1C80, s31;
	[tilespmem:v2+s19+$0x0] =	vst.idx.add.f32.msk $0xffff, v1;
	(pc) =	sbr.rel @p0 .LBB2_4-.Ltmp1, $4  }
0x52: {  	[spmem:s2] =	stream.indirect.scatter.add.f32 [tilespmem:s18], [sflag:$0x3], $0x80, s31, s13, $0x2000b8;
	v63 =	vld [tilespmem:$0x0]  }
0x53: {  	_ =	swait.ge [sflag:s11], $0x3000  }
0x54: {  	[sflag:s11] =	ssyncset.done $0x0  }
0x55: {  	s30 =	sadd.s32 $0x400, s30;
	[sflag:s11] =	ssyncadd.s32 $0xFFFFD000  }
0x56: {  	_ =	swait.ge [sflag:s17], $0x3000  }
0x57: {  	[sflag:s17] =	ssyncset.done $0x0  }
0x58: {  	[sflag:s17] =	ssyncadd.s32 $0xFFFFD000  }
0x59: {  	[tilespmem:s18], [sflag:$0x2] =	stream.indirect.gather [hbm4b:s4+s13], $0x80, s21, s13, $0x2000b8;
	v63 =	vld [tilespmem:$0x0]  }
0x5a: {  	v2 =	vld [tilespmem:$0x3600];
	_ =	sdelay $0x7  }
0x5b: {  	[tilespmem:v2+s19+$0x0] =	vst.idx.add.f32.msk $0xffff, v1  }
0x5c: {  	v2 =	vld [tilespmem:$0x3610];
	_ =	sdelay $0x7  }
0x5d: {  	[tilespmem:v2+s19+$0x0] =	vst.idx.add.f32.msk $0xffff, v1  }
0x5e: {  	v2 =	vld [tilespmem:$0x3620];
	_ =	sdelay $0x7  }
0x5f: {  	[tilespmem:v2+s19+$0x0] =	vst.idx.add.f32.msk $0xffff, v1  }
0x60: {  	v2 =	vld [tilespmem:$0x3630];
	_ =	sdelay $0x7  }
0x61: {  	[tilespmem:v2+s19+$0x0] =	vst.idx.add.f32.msk $0xffff, v1  }
0x62: {  	v2 =	vld [tilespmem:$0x3640];
	_ =	sdelay $0x7  }
0x63: {  	[tilespmem:v2+s19+$0x0] =	vst.idx.add.f32.msk $0xffff, v1  }
0x64: {  	v2 =	vld [tilespmem:$0x3650];
	_ =	sdelay $0x7  }
0x65: {  	[tilespmem:v2+s19+$0x0] =	vst.idx.add.f32.msk $0xffff, v1  }
0x66: {  	[spmem:s2] =	stream.indirect.scatter.add.f32 [tilespmem:s14], [sflag:$0x3], $0x80, s22, s13, $0x2000b8;
	v63 =	vld [tilespmem:$0x0]  }
0x67: {  	_ =	swait.ge [sflag:s11], $0x3000  }
0x68: {  	[sflag:s11] =	ssyncset.done $0x0  }
0x69: {  	[sflag:s11] =	ssyncadd.s32 $0xFFFFD000  }
0x6a: {  	_ =	swait.ge [sflag:s20], $0x3000  }
0x6b: {  	[sflag:s20] =	ssyncset.done $0x0  }
0x6c: {  	[sflag:s20] =	ssyncadd.s32 $0xFFFFD000  }
0x6d: {  	v2 =	vld [tilespmem:$0x3680];
	_ =	sdelay $0x7  }
0x6e: {  	[tilespmem:v2+s19+$0x0] =	vst.idx.add.f32.msk $0xffff, v1  }
0x6f: {  	v2 =	vld [tilespmem:$0x3690];
	_ =	sdelay $0x7  }
0x70: {  	[tilespmem:v2+s19+$0x0] =	vst.idx.add.f32.msk $0xffff, v1  }
0x71: {  	v2 =	vld [tilespmem:$0x36A0];
	_ =	sdelay $0x7  }
0x72: {  	[tilespmem:v2+s19+$0x0] =	vst.idx.add.f32.msk $0xffff, v1  }
0x73: {  	v2 =	vld [tilespmem:$0x36B0];
	_ =	sdelay $0x7  }
0x74: {  	[tilespmem:v2+s19+$0x0] =	vst.idx.add.f32.msk $0xffff, v1  }
0x75: {  	v2 =	vld [tilespmem:$0x36C0];
	_ =	sdelay $0x7  }
0x76: {  	[tilespmem:v2+s19+$0x0] =	vst.idx.add.f32.msk $0xffff, v1  }
0x77: {  	v2 =	vld [tilespmem:$0x36D0];
	_ =	sdelay $0x7  }
0x78: {  	[tilespmem:v2+s19+$0x0] =	vst.idx.add.f32.msk $0xffff, v1  }
0x79: {  	[spmem:s2] =	stream.indirect.scatter.add.f32 [tilespmem:s18], [sflag:$0x3], $0x80, s25, s13, $0x2000b8;
	v63 =	vld [tilespmem:$0x0]  }
0x7a: {  	_ =	swait.ge [sflag:s11], $0x3000  }
0x7b: {  	[sflag:s11] =	ssyncset.done $0x0  }
0x7c: {  	[sflag:s11] =	ssyncadd.s32 $0xFFFFD000  }
0x7d: {  	[bflag:$0x0] =	sbarrier.arrive $0xFFFF  }
0x7e: {  	_ =	strace $0x9000004A  }
0x7f: {  	s0 =	simm.s32 $0x0;
	_ =	strace $0x8000004B  }
0x80: {  	[tilespmem:s14], [sflag:$0x1] =	stream.indirect.gather [hbm4b:s5+s13], $0x80, s0, s13, $0x2000b8;
	v63 =	vld [tilespmem:$0x0]  }
0x81: {  	[hbm:s23], [sflag:s15] =	dma.local [spmem:s16], $0x2800  }
0x82: {  	_ =	swait.ge [sflag:s11], $0x2800  }
0x83: {  	[sflag:s11] =	ssyncset.done $0x0  }
0x84: {  	[sflag:s11] =	ssyncadd.s32 $0xFFFFD800  }
0x85: {  	[spmem:s16], [sflag:s15] =	dma.local [hbm:s8], $0x2800  }
0x86: {  	_ =	swait.ge [sflag:s11], $0x2800  }
0x87: {  	[sflag:s11] =	ssyncset.done $0x0  }
0x88: {  	[sflag:s11] =	ssyncadd.s32 $0xFFFFD800  }
0x89: {  	[bflag:$0x0] =	sbarrier.arrive $0xFFFF  }
0x8a: {  	_ =	strace $0x9000004B  }
0x8b: {  	_ =	strace $0x8000004C  }
0x8c: {  	_ =	swait.ge [sflag:s17], $0x3000  }
0x8d: {  	[sflag:s17] =	ssyncset.done $0x0  }
0x8e: {  	s31 =	simm.s32 $0x80;
	[sflag:s17] =	ssyncadd.s32 $0xFFFFD000  }
0x8f: {  	[tilespmem:s18], [sflag:$0x2] =	stream.indirect.gather [hbm4b:s5+s13], $0x80, s31, s13, $0x2000b8;
	v63 =	vld [tilespmem:$0x0]  }
0x90: {  	s31 =	simm.s32 $0x1C00  }
0x91: {  	[spmem:s2] =	stream.indirect.scatter.add.f32 [tilespmem:s14], [sflag:$0x3], $0x80, s31, s13, $0x2000b8;
	v63 =	vld [tilespmem:$0x0]  }
0x92: {  	_ =	swait.ge [sflag:s11], $0x3000  }
0x93: {  	[sflag:s11] =	ssyncset.done $0x0  }
0x94: {  	[sflag:s11] =	ssyncadd.s32 $0xFFFFD000  }
0x95: {  	_ =	swait.ge [sflag:s20], $0x3000  }
0x96: {  	[sflag:s20] =	ssyncset.done $0x0  }
0x97: {  	s31 =	simm.s32 $0x100;
	[sflag:s20] =	ssyncadd.s32 $0xFFFFD000  }
0x98: {  	[tilespmem:s14], [sflag:$0x1] =	stream.indirect.gather [hbm4b:s5+s13], $0x80, s31, s13, $0x2000b8;
	v63 =	vld [tilespmem:$0x0]  }
0x99: {  	s31 =	simm.s32 $0x1C80  }
0x9a: {  	[spmem:s2] =	stream.indirect.scatter.add.f32 [tilespmem:s18], [sflag:$0x3], $0x80, s31, s13, $0x2000b8;
	v63 =	vld [tilespmem:$0x0]  }
0x9b: {  	_ =	swait.ge [sflag:s11], $0x3000  }
0x9c: {  	s30 =	simm.s32 $0x400;
	[sflag:s11] =	ssyncset.done $0x0  }
.LBB2_6:
0x9d: {  	p0 =	sne.s32 s30, $0x6400  }
0x9e: {  	[sflag:s11] =	ssyncadd.s32 $0xFFFFD000;
	s0 =	smov.u32 s30;
	s30 =	sadd.s32 $0x400, s30  }
0x9f: {  	_ = 	snop  }
0xa0: {  	_ =	swait.ge [sflag:s17], $0x3000  }
0xa1: {  	s0 =	sshra.s32 s0, $0x2;
	[sflag:s17] =	ssyncset.done $0x0  }
0xa2: {  	s31 =	sadd.s32 $0x80, s0;
	[sflag:s17] =	ssyncadd.s32 $0xFFFFD000  }
0xa3: {  	[tilespmem:s18], [sflag:$0x2] =	stream.indirect.gather [hbm4b:s5+s13], $0x80, s31, s13, $0x2000b8;
	v63 =	vld [tilespmem:$0x0]  }
0xa4: {  	s31 =	sadd.s32 $0x1C00, s0  }
0xa5: {  	[spmem:s2] =	stream.indirect.scatter.add.f32 [tilespmem:s14], [sflag:$0x3], $0x80, s31, s13, $0x2000b8;
	v63 =	vld [tilespmem:$0x0]  }
0xa6: {  	_ =	swait.ge [sflag:s11], $0x3000  }
0xa7: {  	[sflag:s11] =	ssyncset.done $0x0  }
0xa8: {  	[sflag:s11] =	ssyncadd.s32 $0xFFFFD000  }
0xa9: {  	_ =	swait.ge [sflag:s20], $0x3000  }
0xaa: {  	[sflag:s20] =	ssyncset.done $0x0  }
0xab: {  	s31 =	sadd.s32 $0x100, s0;
	[sflag:s20] =	ssyncadd.s32 $0xFFFFD000  }
0xac: {  	[tilespmem:s14], [sflag:$0x1] =	stream.indirect.gather [hbm4b:s5+s13], $0x80, s31, s13, $0x2000b8;
	v63 =	vld [tilespmem:$0x0]  }
.Ltmp2:
0xad: {  	_ = 	snop;
	(pc) =	sbr.rel @p0 .LBB2_6-.Ltmp2, $4  }
0xae: {  	s0 =	sadd.s32 $0x1C80, s0  }
0xaf: {  	[spmem:s2] =	stream.indirect.scatter.add.f32 [tilespmem:s18], [sflag:$0x3], $0x80, s0, s13, $0x2000b8;
	v63 =	vld [tilespmem:$0x0]  }
0xb0: {  	_ =	swait.ge [sflag:s11], $0x3000  }
0xb1: {  	[sflag:s11] =	ssyncset.done $0x0  }
0xb2: {  	[sflag:s11] =	ssyncadd.s32 $0xFFFFD000  }
0xb3: {  	_ =	swait.ge [sflag:s17], $0x3000  }
0xb4: {  	[sflag:s17] =	ssyncset.done $0x0  }
0xb5: {  	[sflag:s17] =	ssyncadd.s32 $0xFFFFD000  }
0xb6: {  	[tilespmem:s18], [sflag:$0x2] =	stream.indirect.gather [hbm4b:s5+s13], $0x80, s21, s13, $0x2000b8;
	v63 =	vld [tilespmem:$0x0]  }
0xb7: {  	_ = 	snop  }
0xb8: {  	[spmem:s2] =	stream.indirect.scatter.add.f32 [tilespmem:s14], [sflag:$0x3], $0x80, s22, s13, $0x2000b8;
	v63 =	vld [tilespmem:$0x0]  }
0xb9: {  	_ =	swait.ge [sflag:s11], $0x3000  }
0xba: {  	[sflag:s11] =	ssyncset.done $0x0  }
0xbb: {  	[sflag:s11] =	ssyncadd.s32 $0xFFFFD000  }
0xbc: {  	_ =	swait.ge [sflag:s20], $0x3000  }
0xbd: {  	[sflag:s20] =	ssyncset.done $0x0  }
0xbe: {  	[sflag:s20] =	ssyncadd.s32 $0xFFFFD000  }
0xbf: {  	[spmem:s2] =	stream.indirect.scatter.add.f32 [tilespmem:s18], [sflag:$0x3], $0x80, s25, s13, $0x2000b8;
	v63 =	vld [tilespmem:$0x0]  }
0xc0: {  	_ =	swait.ge [sflag:s11], $0x3000  }
0xc1: {  	[sflag:s11] =	ssyncset.done $0x0  }
0xc2: {  	[sflag:s11] =	ssyncadd.s32 $0xFFFFD000  }
0xc3: {  	[bflag:$0x0] =	sbarrier.arrive $0xFFFF  }
0xc4: {  	_ =	strace $0x9000004C  }
0xc5: {  	_ =	strace $0x8000004D  }
0xc6: {  	[hbm:s24], [sflag:s15] =	dma.local [spmem:s16], $0x2800  }
0xc7: {  	_ =	swait.ge [sflag:s11], $0x2800  }
0xc8: {  	s29 =	sadd.s32 $0x1, s29;
	[sflag:s11] =	ssyncset.done $0x0  }
0xc9: {  	p0 =	sne.s32 s29, s10;
	[sflag:s11] =	ssyncadd.s32 $0xFFFFD800  }
.Ltmp3:
0xca: {  	_ =	strace $0x9000004D;
	(pc) =	sbr.rel @p0 .LBB2_1-.Ltmp3, $4  }
0xcb: {  	[hbm4b:s9+s26] =	stream.strided.scatter [tilespmem:s19], [sflag:$0x3], $0x2800, s28, s26, $0x38;
	v63 =	vld [tilespmem:$0x0]  }
0xcc: {  	_ =	swait.ge [sflag:s11], $0x2800  }
0xcd: {  	[sflag:s11] =	ssyncset.done $0x0  }
0xce: {  	[sflag:s11] =	ssyncadd.s32 $0xFFFFD800  }
0xcf: {  	_ =	sfence.sel $0x180000  }
0xd0: {  	[bflag:$0x0] =	sbarrier.arrive $0xFFFF  }
0xd1: {  	_ =	strace $0x90000047  }
0xd2: {  	[bflag:$0x2] =	sbarrier.arrive $0xFFFF  }
0xd3: {  	p0 =	sne.s32 s1, $0x0;
	s0 =	rddreg [dreg:$0x3]  }
0xd4: {  	s0 =	sadd.s32 @!p0 $0x100000, s0  }
0xd5: {  	[sflag:s0] =	ssyncadd.tile.s32 @!p0 $0x1;
	_ =	shalt  }
.Lfunc_end2:
_tile_overlayer_lowered:
.L_overlay_start_2:
0xd6: {  	(tag) =	ssettag $0x2  }
0xd7: {  	s0 =	rddreg [dreg:$0x0];
	s2 =	stileid.u32  }
0xd8: {  	s1 =	rddreg [dreg:$0x1];
	p0 =	sne.s32 s2, $0x0  }
0xd9: {  	s3 =	rddreg [dreg:$0x2];
	[bflag:$0x3] =	sbarrier.arrive $0xFFFF;
	s2 =	simm.s32 @!p0 $0x1C03  }
0xda: {  	[timem:s3], [sflag:s2] =	dma.local @!p0 [hbm:s0], s1  }
0xdb: {  	s0 =	simm.s32 @!p0 $0x3  }
0xdc: {  	_ =	swait.ge @!p0 [sflag:s0], s1  }
0xdd: {  	s1 =	ssub.s32 @!p0 $0x0, s1;
	[sflag:s0] =	ssyncset.done @!p0 $0x0  }
0xde: {  	[sflag:s0] =	ssyncadd.s32 @!p0 s1  }
0xdf: {  	[bflag:$0x3] =	sbarrier.arrive $0xFFFF  }
0xe0: {  	_ =	shalt  }

</sc_bundles>
